<compile_context>
chip_gen: v7x
topology: tpu7x:2x2x1
jax: 0.10.2.dev20260603
libtpu: 0.0.44.dev20260713+nightly
codegen_flags: <defaults>
</compile_context>

<pallas_src>
import functools

import jax
import jax.numpy as jnp
from jax import lax
from jax.experimental import pallas as pl
from jax.experimental.pallas import tpu as pltpu
from jax.experimental.pallas import tpu_sc as plsc

B = 16384
D = 16
NC = 2
NS = 16
NW = NC * NS
BPW = B // NW
CHUNK = 128
NCH = BPW // CHUNK


def _sc_gather(user_gmf, item_gmf, user_mlp, item_mlp, uidx, iidx):
  f32 = jnp.float32
  out = jax.ShapeDtypeStruct((B, D), f32)
  mesh = plsc.VectorSubcoreMesh(core_axis_name="c", subcore_axis_name="s")

  @functools.partial(
      pl.kernel,
      mesh=mesh,
      compiler_params=pltpu.CompilerParams(use_tc_tiling_on_sc=False),
      out_type=[out, out, out, out],
      scratch_types=[
          pltpu.VMEM((NCH, CHUNK), jnp.int32),
          pltpu.VMEM((NCH, CHUNK), jnp.int32),
          pltpu.VMEM((BPW, D), f32),
          pltpu.VMEM((BPW, D), f32),
          pltpu.VMEM((BPW, D), f32),
          pltpu.VMEM((BPW, D), f32),
          pltpu.SemaphoreType.DMA,
      ],
  )
  def k(ug_hbm, ig_hbm, um_hbm, im_hbm, ui_hbm, ii_hbm,
        oug, oig, oum, oim, ui_v, ii_v, ug_v, ig_v, um_v, im_v, sem):
    wid = lax.axis_index("s") * NC + lax.axis_index("c")
    base = wid * BPW
    for j in range(NCH):
      pltpu.sync_copy(ui_hbm.at[pl.ds(base + j * CHUNK, CHUNK)], ui_v.at[j])
      pltpu.sync_copy(ii_hbm.at[pl.ds(base + j * CHUNK, CHUNK)], ii_v.at[j])
    copies = []
    for j in range(NCH):
      sl = pl.ds(j * CHUNK, CHUNK)
      copies.append(pltpu.async_copy(ug_hbm.at[ui_v.at[j]], ug_v.at[sl], sem))
      copies.append(pltpu.async_copy(ig_hbm.at[ii_v.at[j]], ig_v.at[sl], sem))
      copies.append(pltpu.async_copy(um_hbm.at[ui_v.at[j]], um_v.at[sl], sem))
      copies.append(pltpu.async_copy(im_hbm.at[ii_v.at[j]], im_v.at[sl], sem))
    for c in copies:
      c.wait()
    pltpu.sync_copy(ug_v, oug.at[pl.ds(base, BPW)])
    pltpu.sync_copy(ig_v, oig.at[pl.ds(base, BPW)])
    pltpu.sync_copy(um_v, oum.at[pl.ds(base, BPW)])
    pltpu.sync_copy(im_v, oim.at[pl.ds(base, BPW)])

  return k(user_gmf, item_gmf, user_mlp, item_mlp, uidx, iidx)


BLK = 1024


def _tc_body(ug_r, ig_r, um_r, im_r, w0a_r, w0b_r, b0_r, w1_r, b1_r,
             w2_r, b2_r, wfa_r, wfb_r, bf_r, out_r):
  f32 = jnp.float32
  gmf = ug_r[...] * ig_r[...]
  h = jnp.dot(um_r[...], w0a_r[...], preferred_element_type=f32)
  h = h + jnp.dot(im_r[...], w0b_r[...], preferred_element_type=f32)
  h = jnp.maximum(h + b0_r[...], 0.0)
  h = jnp.maximum(jnp.dot(h, w1_r[...], preferred_element_type=f32) + b1_r[...], 0.0)
  h = jnp.maximum(jnp.dot(h, w2_r[...], preferred_element_type=f32) + b2_r[...], 0.0)
  out_r[...] = (jnp.dot(gmf, wfa_r[...], preferred_element_type=f32)
                + jnp.dot(h, wfb_r[...], preferred_element_type=f32)
                + bf_r[...])


def _tc_mlp(ug, ig, um, im, W0, b0, W1, b1, W2, b2, Wf, bf):
  f32 = jnp.float32
  grid = B // BLK
  row_spec = pl.BlockSpec((BLK, D), lambda i: (i, 0))

  def full(x):
    return pl.BlockSpec(x.shape, lambda i: tuple(0 for _ in x.shape))

  w0a, w0b = W0[:D], W0[D:]
  wfa, wfb = Wf[:D], Wf[D:]
  b0r = b0.reshape(1, -1)
  b1r = b1.reshape(1, -1)
  b2r = b2.reshape(1, -1)
  bfr = bf.reshape(1, -1)
  args = (ug, ig, um, im, w0a, w0b, b0r, W1, b1r, W2, b2r, wfa, wfb, bfr)
  in_specs = [row_spec, row_spec, row_spec, row_spec] + [full(a) for a in args[4:]]
  out = pl.pallas_call(
      _tc_body,
      grid=(grid,),
      in_specs=in_specs,
      out_specs=pl.BlockSpec((BLK, 1), lambda i: (i, 0)),
      out_shape=jax.ShapeDtypeStruct((B, 1), f32),
  )(*args)
  return out[:, 0]


def kernel(user_gmf, item_gmf, user_mlp, item_mlp, W0, b0, W1, b1, W2, b2,
           Wf, bf, user_indices, item_indices):
  uidx = user_indices.astype(jnp.int32)
  iidx = item_indices.astype(jnp.int32)
  ug, ig, um, im = _sc_gather(user_gmf, item_gmf, user_mlp, item_mlp, uidx, iidx)
  return _tc_mlp(ug, ig, um, im, W0, b0, W1, b1, W2, b2, Wf, bf)

# --- scband reference (transcript-rebuilt; emitter-appended) ---
"""Pipeline reference for scband-ncf-42803644072151 (READ-ONLY COPY).

The authoritative reference and input builder live on the scoring server;
editing this copy changes nothing except your own understanding.
"""

import jax, jax.numpy as jnp
import numpy as np

N_USERS = 1000000
N_ITEMS = 1000000
EMBED_DIM = 16
MLP_DIMS = [64, 32, 16]
BATCH = 16384


def setup_inputs(seed: int = 0) -> dict:
    key = jax.random.key(seed)
    ks = jax.random.split(key, 16)
    user_indices = jax.random.randint(ks[0], (BATCH,), 0, N_USERS, dtype=jnp.int64) if jax.config.jax_enable_x64 else jax.random.randint(ks[0], (BATCH,), 0, N_USERS, dtype=jnp.int32)
    item_indices = jax.random.randint(ks[1], (BATCH,), 0, N_ITEMS, dtype=jnp.int64) if jax.config.jax_enable_x64 else jax.random.randint(ks[1], (BATCH,), 0, N_ITEMS, dtype=jnp.int32)
    # Embedding tables, init normal(std=0.01)
    user_gmf = jax.random.normal(ks[2], (N_USERS, EMBED_DIM), dtype=jnp.float32) * 0.01
    item_gmf = jax.random.normal(ks[3], (N_ITEMS, EMBED_DIM), dtype=jnp.float32) * 0.01
    user_mlp = jax.random.normal(ks[4], (N_USERS, EMBED_DIM), dtype=jnp.float32) * 0.01
    item_mlp = jax.random.normal(ks[5], (N_ITEMS, EMBED_DIM), dtype=jnp.float32) * 0.01
    # MLP weights (xavier uniform), biases zero
    def xavier(k, fan_in, fan_out):
        limit = np.sqrt(6.0 / (fan_in + fan_out))
        return jax.random.uniform(k, (fan_in, fan_out), dtype=jnp.float32, minval=-limit, maxval=limit)
    in_dim = EMBED_DIM * 2
    W0 = xavier(ks[6], in_dim, MLP_DIMS[0]); b0 = jnp.zeros((MLP_DIMS[0],), jnp.float32)
    W1 = xavier(ks[7], MLP_DIMS[0], MLP_DIMS[1]); b1 = jnp.zeros((MLP_DIMS[1],), jnp.float32)
    W2 = xavier(ks[8], MLP_DIMS[1], MLP_DIMS[2]); b2 = jnp.zeros((MLP_DIMS[2],), jnp.float32)
    Wf = xavier(ks[9], MLP_DIMS[2] + EMBED_DIM, 1); bf = jnp.zeros((1,), jnp.float32)
    return {
        "user_gmf": user_gmf, "item_gmf": item_gmf,
        "user_mlp": user_mlp, "item_mlp": item_mlp,
        "W0": W0, "b0": b0, "W1": W1, "b1": b1, "W2": W2, "b2": b2,
        "Wf": Wf, "bf": bf,
        "user_indices": user_indices, "item_indices": item_indices,
    }


def reference(user_gmf, item_gmf, user_mlp, item_mlp, W0, b0, W1, b1, W2, b2, Wf, bf, user_indices, item_indices):
    # GMF branch
    u_g = jnp.take(user_gmf, user_indices, axis=0)
    i_g = jnp.take(item_gmf, item_indices, axis=0)
    gmf_output = u_g * i_g
    # MLP branch (dropout=0.0 -> identity; batchnorm=False)
    u_m = jnp.take(user_mlp, user_indices, axis=0)
    i_m = jnp.take(item_mlp, item_indices, axis=0)
    h = jnp.concatenate([u_m, i_m], axis=-1)
    h = jax.nn.relu(h @ W0 + b0)
    h = jax.nn.relu(h @ W1 + b1)
    h = jax.nn.relu(h @ W2 + b2)
    concat = jnp.concatenate([gmf_output, h], axis=-1)
    prediction = concat @ Wf + bf
    return jnp.squeeze(prediction, axis=-1)

if __name__ == "__main__":
    import jax
    _d = setup_inputs()
    print(jax.jit(kernel)(*tuple(_d.values())))

</pallas_src>

<mosaic_0001>
#map = affine_map<(d0, d1) -> (0, 0)>
#map1 = affine_map<(d0, d1) -> (0)>
module attributes {stable_mosaic.version = 14 : i64} {
  func.func @k(%arg0: i32, %arg1: i32, %arg2: memref<1000000x16xf32, #tpu.memory_space<hbm>>, %arg3: memref<1000000x16xf32, #tpu.memory_space<hbm>>, %arg4: memref<1000000x16xf32, #tpu.memory_space<hbm>>, %arg5: memref<1000000x16xf32, #tpu.memory_space<hbm>>, %arg6: memref<16384xi32, #tpu.memory_space<hbm>>, %arg7: memref<16384xi32, #tpu.memory_space<hbm>>, %arg8: memref<16384x16xf32, #tpu.memory_space<hbm>>, %arg9: memref<16384x16xf32, #tpu.memory_space<hbm>>, %arg10: memref<16384x16xf32, #tpu.memory_space<hbm>>, %arg11: memref<16384x16xf32, #tpu.memory_space<hbm>>, %arg12: memref<4x128xi32, #tpu.memory_space<vmem>>, %arg13: memref<4x128xi32, #tpu.memory_space<vmem>>, %arg14: memref<512x16xf32, #tpu.memory_space<vmem>>, %arg15: memref<512x16xf32, #tpu.memory_space<vmem>>, %arg16: memref<512x16xf32, #tpu.memory_space<vmem>>, %arg17: memref<512x16xf32, #tpu.memory_space<vmem>>, %arg18: memref<!tpu.dma_semaphore, #tpu.memory_space<semaphore_mem>>) attributes {dimension_semantics = [#tpu.dimension_semantics<core_parallel>, #tpu.dimension_semantics<subcore_parallel>], iteration_bounds = array<i64: 2, 16>, scalar_prefetch = 0 : i64, scratch_operands = 7 : i64, tpu.core_type = #tpu.core_type<sc_vector_subcore>, window_params = [{transform_indices = #map}, {transform_indices = #map}, {transform_indices = #map}, {transform_indices = #map}, {transform_indices = #map1}, {transform_indices = #map1}, {transform_indices = #map}, {transform_indices = #map}, {transform_indices = #map}, {transform_indices = #map}]} {
    %mul3A = arith.constant 2 : i32
    %mul3A_0 = arith.muli %arg1, %mul3A : i32
    %add3A = arith.addi %mul3A_0, %arg0 : i32
    %mul3A_1 = arith.constant 512 : i32
    %mul3A_2 = arith.muli %add3A, %mul3A_1 : i32
    %add3A_3 = arith.constant 0 : i32
    %add3A_4 = arith.addi %mul3A_2, %add3A_3 : i32
    %run_scoped3A = arith.constant 0 : i32
    "tpu.region"() ({
      %run_scoped3A_344 = tpu.sem_alloc : memref<!tpu.dma_semaphore, #tpu.memory_space<semaphore_mem>>
      %dma_start3A_345 = arith.constant 0 : i32
      %dma_start3A_346 = tpu.memref_slice %arg12[%run_scoped3A, %dma_start3A_345] : memref<4x128xi32, #tpu.memory_space<vmem>> -> memref<1x128xi32, #tpu.memory_space<vmem>>
      %dma_start3A_347 = tpu.memref_squeeze %dma_start3A_346 : memref<1x128xi32, #tpu.memory_space<vmem>> -> memref<128xi32, #tpu.memory_space<vmem>>
      %dma_start3A_348 = tpu.memref_slice %arg6[%add3A_4] : memref<16384xi32, #tpu.memory_space<hbm>> -> memref<128xi32, #tpu.memory_space<hbm>>
      %dma_start3A_349 = arith.constant 0 : i32
      %dma_start3A_350 = tpu.memref_slice %arg12[%run_scoped3A, %dma_start3A_349] : memref<4x128xi32, #tpu.memory_space<vmem>> -> memref<1x128xi32, #tpu.memory_space<vmem>>
      %dma_start3A_351 = tpu.memref_squeeze %dma_start3A_350 : memref<1x128xi32, #tpu.memory_space<vmem>> -> memref<128xi32, #tpu.memory_space<vmem>>
      %dma_start3A_352 = tpu.memref_slice %arg6[%add3A_4] : memref<16384xi32, #tpu.memory_space<hbm>> -> memref<128xi32, #tpu.memory_space<hbm>>
      tpu.enqueue_dma source(%dma_start3A_352 : memref<128xi32, #tpu.memory_space<hbm>>) target(%dma_start3A_351 : memref<128xi32, #tpu.memory_space<vmem>>) target_semaphore(%run_scoped3A_344 : memref<!tpu.dma_semaphore, #tpu.memory_space<semaphore_mem>>)
      %dma_wait3A_353 = arith.constant 0 : i32
      %dma_wait3A_354 = tpu.memref_slice %arg12[%run_scoped3A, %dma_wait3A_353] : memref<4x128xi32, #tpu.memory_space<vmem>> -> memref<1x128xi32, #tpu.memory_space<vmem>>
      %dma_wait3A_355 = tpu.memref_squeeze %dma_wait3A_354 : memref<1x128xi32, #tpu.memory_space<vmem>> -> memref<128xi32, #tpu.memory_space<vmem>>
      %dma_wait3A_356 = tpu.memref_slice %arg6[%add3A_4] : memref<16384xi32, #tpu.memory_space<hbm>> -> memref<128xi32, #tpu.memory_space<hbm>>
      %dma_wait3A_357 = arith.constant 0 : i32
      %dma_wait3A_358 = tpu.memref_slice %arg12[%run_scoped3A, %dma_wait3A_357] : memref<4x128xi32, #tpu.memory_space<vmem>> -> memref<1x128xi32, #tpu.memory_space<vmem>>
      %dma_wait3A_359 = tpu.memref_squeeze %dma_wait3A_358 : memref<1x128xi32, #tpu.memory_space<vmem>> -> memref<128xi32, #tpu.memory_space<vmem>>
      %dma_wait3A_360 = tpu.memref_slice %arg6[%add3A_4] : memref<16384xi32, #tpu.memory_space<hbm>> -> memref<128xi32, #tpu.memory_space<hbm>>
      tpu.wait_dma2 semaphore(%run_scoped3A_344 : memref<!tpu.dma_semaphore, #tpu.memory_space<semaphore_mem>>) src(%dma_wait3A_360 : memref<128xi32, #tpu.memory_space<hbm>>) dst(%dma_wait3A_359 : memref<128xi32, #tpu.memory_space<vmem>>)
      tpu.yield
    }) : () -> ()
    %add3A_5 = arith.constant 0 : i32
    %add3A_6 = arith.addi %mul3A_2, %add3A_5 : i32
    %run_scoped3A_7 = arith.constant 0 : i32
    "tpu.region"() ({
      %run_scoped3A_344 = tpu.sem_alloc : memref<!tpu.dma_semaphore, #tpu.memory_space<semaphore_mem>>
      %dma_start3A_345 = arith.constant 0 : i32
      %dma_start3A_346 = tpu.memref_slice %arg13[%run_scoped3A_7, %dma_start3A_345] : memref<4x128xi32, #tpu.memory_space<vmem>> -> memref<1x128xi32, #tpu.memory_space<vmem>>
      %dma_start3A_347 = tpu.memref_squeeze %dma_start3A_346 : memref<1x128xi32, #tpu.memory_space<vmem>> -> memref<128xi32, #tpu.memory_space<vmem>>
      %dma_start3A_348 = tpu.memref_slice %arg7[%add3A_6] : memref<16384xi32, #tpu.memory_space<hbm>> -> memref<128xi32, #tpu.memory_space<hbm>>
      %dma_start3A_349 = arith.constant 0 : i32
      %dma_start3A_350 = tpu.memref_slice %arg13[%run_scoped3A_7, %dma_start3A_349] : memref<4x128xi32, #tpu.memory_space<vmem>> -> memref<1x128xi32, #tpu.memory_space<vmem>>
      %dma_start3A_351 = tpu.memref_squeeze %dma_start3A_350 : memref<1x128xi32, #tpu.memory_space<vmem>> -> memref<128xi32, #tpu.memory_space<vmem>>
      %dma_start3A_352 = tpu.memref_slice %arg7[%add3A_6] : memref<16384xi32, #tpu.memory_space<hbm>> -> memref<128xi32, #tpu.memory_space<hbm>>
      tpu.enqueue_dma source(%dma_start3A_352 : memref<128xi32, #tpu.memory_space<hbm>>) target(%dma_start3A_351 : memref<128xi32, #tpu.memory_space<vmem>>) target_semaphore(%run_scoped3A_344 : memref<!tpu.dma_semaphore, #tpu.memory_space<semaphore_mem>>)
      %dma_wait3A_353 = arith.constant 0 : i32
      %dma_wait3A_354 = tpu.memref_slice %arg13[%run_scoped3A_7, %dma_wait3A_353] : memref<4x128xi32, #tpu.memory_space<vmem>> -> memref<1x128xi32, #tpu.memory_space<vmem>>
      %dma_wait3A_355 = tpu.memref_squeeze %dma_wait3A_354 : memref<1x128xi32, #tpu.memory_space<vmem>> -> memref<128xi32, #tpu.memory_space<vmem>>
      %dma_wait3A_356 = tpu.memref_slice %arg7[%add3A_6] : memref<16384xi32, #tpu.memory_space<hbm>> -> memref<128xi32, #tpu.memory_space<hbm>>
      %dma_wait3A_357 = arith.constant 0 : i32
      %dma_wait3A_358 = tpu.memref_slice %arg13[%run_scoped3A_7, %dma_wait3A_357] : memref<4x128xi32, #tpu.memory_space<vmem>> -> memref<1x128xi32, #tpu.memory_space<vmem>>
      %dma_wait3A_359 = tpu.memref_squeeze %dma_wait3A_358 : memref<1x128xi32, #tpu.memory_space<vmem>> -> memref<128xi32, #tpu.memory_space<vmem>>
      %dma_wait3A_360 = tpu.memref_slice %arg7[%add3A_6] : memref<16384xi32, #tpu.memory_space<hbm>> -> memref<128xi32, #tpu.memory_space<hbm>>
      tpu.wait_dma2 semaphore(%run_scoped3A_344 : memref<!tpu.dma_semaphore, #tpu.memory_space<semaphore_mem>>) src(%dma_wait3A_360 : memref<128xi32, #tpu.memory_space<hbm>>) dst(%dma_wait3A_359 : memref<128xi32, #tpu.memory_space<vmem>>)
      tpu.yield
    }) : () -> ()
    %add3A_8 = arith.constant 128 : i32
    %add3A_9 = arith.addi %mul3A_2, %add3A_8 : i32
    %run_scoped3A_10 = arith.constant 1 : i32
    "tpu.region"() ({
      %run_scoped3A_344 = tpu.sem_alloc : memref<!tpu.dma_semaphore, #tpu.memory_space<semaphore_mem>>
      %dma_start3A_345 = arith.constant 0 : i32
      %dma_start3A_346 = tpu.memref_slice %arg12[%run_scoped3A_10, %dma_start3A_345] : memref<4x128xi32, #tpu.memory_space<vmem>> -> memref<1x128xi32, #tpu.memory_space<vmem>>
      %dma_start3A_347 = tpu.memref_squeeze %dma_start3A_346 : memref<1x128xi32, #tpu.memory_space<vmem>> -> memref<128xi32, #tpu.memory_space<vmem>>
      %dma_start3A_348 = tpu.memref_slice %arg6[%add3A_9] : memref<16384xi32, #tpu.memory_space<hbm>> -> memref<128xi32, #tpu.memory_space<hbm>>
      %dma_start3A_349 = arith.constant 0 : i32
      %dma_start3A_350 = tpu.memref_slice %arg12[%run_scoped3A_10, %dma_start3A_349] : memref<4x128xi32, #tpu.memory_space<vmem>> -> memref<1x128xi32, #tpu.memory_space<vmem>>
      %dma_start3A_351 = tpu.memref_squeeze %dma_start3A_350 : memref<1x128xi32, #tpu.memory_space<vmem>> -> memref<128xi32, #tpu.memory_space<vmem>>
      %dma_start3A_352 = tpu.memref_slice %arg6[%add3A_9] : memref<16384xi32, #tpu.memory_space<hbm>> -> memref<128xi32, #tpu.memory_space<hbm>>
      tpu.enqueue_dma source(%dma_start3A_352 : memref<128xi32, #tpu.memory_space<hbm>>) target(%dma_start3A_351 : memref<128xi32, #tpu.memory_space<vmem>>) target_semaphore(%run_scoped3A_344 : memref<!tpu.dma_semaphore, #tpu.memory_space<semaphore_mem>>)
      %dma_wait3A_353 = arith.constant 0 : i32
      %dma_wait3A_354 = tpu.memref_slice %arg12[%run_scoped3A_10, %dma_wait3A_353] : memref<4x128xi32, #tpu.memory_space<vmem>> -> memref<1x128xi32, #tpu.memory_space<vmem>>
      %dma_wait3A_355 = tpu.memref_squeeze %dma_wait3A_354 : memref<1x128xi32, #tpu.memory_space<vmem>> -> memref<128xi32, #tpu.memory_space<vmem>>
      %dma_wait3A_356 = tpu.memref_slice %arg6[%add3A_9] : memref<16384xi32, #tpu.memory_space<hbm>> -> memref<128xi32, #tpu.memory_space<hbm>>
      %dma_wait3A_357 = arith.constant 0 : i32
      %dma_wait3A_358 = tpu.memref_slice %arg12[%run_scoped3A_10, %dma_wait3A_357] : memref<4x128xi32, #tpu.memory_space<vmem>> -> memref<1x128xi32, #tpu.memory_space<vmem>>
      %dma_wait3A_359 = tpu.memref_squeeze %dma_wait3A_358 : memref<1x128xi32, #tpu.memory_space<vmem>> -> memref<128xi32, #tpu.memory_space<vmem>>
      %dma_wait3A_360 = tpu.memref_slice %arg6[%add3A_9] : memref<16384xi32, #tpu.memory_space<hbm>> -> memref<128xi32, #tpu.memory_space<hbm>>
      tpu.wait_dma2 semaphore(%run_scoped3A_344 : memref<!tpu.dma_semaphore, #tpu.memory_space<semaphore_mem>>) src(%dma_wait3A_360 : memref<128xi32, #tpu.memory_space<hbm>>) dst(%dma_wait3A_359 : memref<128xi32, #tpu.memory_space<vmem>>)
      tpu.yield
    }) : () -> ()
    %add3A_11 = arith.constant 128 : i32
    %add3A_12 = arith.addi %mul3A_2, %add3A_11 : i32
    %run_scoped3A_13 = arith.constant 1 : i32
    "tpu.region"() ({
      %run_scoped3A_344 = tpu.sem_alloc : memref<!tpu.dma_semaphore, #tpu.memory_space<semaphore_mem>>
      %dma_start3A_345 = arith.constant 0 : i32
      %dma_start3A_346 = tpu.memref_slice %arg13[%run_scoped3A_13, %dma_start3A_345] : memref<4x128xi32, #tpu.memory_space<vmem>> -> memref<1x128xi32, #tpu.memory_space<vmem>>
      %dma_start3A_347 = tpu.memref_squeeze %dma_start3A_346 : memref<1x128xi32, #tpu.memory_space<vmem>> -> memref<128xi32, #tpu.memory_space<vmem>>
      %dma_start3A_348 = tpu.memref_slice %arg7[%add3A_12] : memref<16384xi32, #tpu.memory_space<hbm>> -> memref<128xi32, #tpu.memory_space<hbm>>
      %dma_start3A_349 = arith.constant 0 : i32
      %dma_start3A_350 = tpu.memref_slice %arg13[%run_scoped3A_13, %dma_start3A_349] : memref<4x128xi32, #tpu.memory_space<vmem>> -> memref<1x128xi32, #tpu.memory_space<vmem>>
      %dma_start3A_351 = tpu.memref_squeeze %dma_start3A_350 : memref<1x128xi32, #tpu.memory_space<vmem>> -> memref<128xi32, #tpu.memory_space<vmem>>
      %dma_start3A_352 = tpu.memref_slice %arg7[%add3A_12] : memref<16384xi32, #tpu.memory_space<hbm>> -> memref<128xi32, #tpu.memory_space<hbm>>
      tpu.enqueue_dma source(%dma_start3A_352 : memref<128xi32, #tpu.memory_space<hbm>>) target(%dma_start3A_351 : memref<128xi32, #tpu.memory_space<vmem>>) target_semaphore(%run_scoped3A_344 : memref<!tpu.dma_semaphore, #tpu.memory_space<semaphore_mem>>)
      %dma_wait3A_353 = arith.constant 0 : i32
      %dma_wait3A_354 = tpu.memref_slice %arg13[%run_scoped3A_13, %dma_wait3A_353] : memref<4x128xi32, #tpu.memory_space<vmem>> -> memref<1x128xi32, #tpu.memory_space<vmem>>
      %dma_wait3A_355 = tpu.memref_squeeze %dma_wait3A_354 : memref<1x128xi32, #tpu.memory_space<vmem>> -> memref<128xi32, #tpu.memory_space<vmem>>
      %dma_wait3A_356 = tpu.memref_slice %arg7[%add3A_12] : memref<16384xi32, #tpu.memory_space<hbm>> -> memref<128xi32, #tpu.memory_space<hbm>>
      %dma_wait3A_357 = arith.constant 0 : i32
      %dma_wait3A_358 = tpu.memref_slice %arg13[%run_scoped3A_13, %dma_wait3A_357] : memref<4x128xi32, #tpu.memory_space<vmem>> -> memref<1x128xi32, #tpu.memory_space<vmem>>
      %dma_wait3A_359 = tpu.memref_squeeze %dma_wait3A_358 : memref<1x128xi32, #tpu.memory_space<vmem>> -> memref<128xi32, #tpu.memory_space<vmem>>
      %dma_wait3A_360 = tpu.memref_slice %arg7[%add3A_12] : memref<16384xi32, #tpu.memory_space<hbm>> -> memref<128xi32, #tpu.memory_space<hbm>>
      tpu.wait_dma2 semaphore(%run_scoped3A_344 : memref<!tpu.dma_semaphore, #tpu.memory_space<semaphore_mem>>) src(%dma_wait3A_360 : memref<128xi32, #tpu.memory_space<hbm>>) dst(%dma_wait3A_359 : memref<128xi32, #tpu.memory_space<vmem>>)
      tpu.yield
    }) : () -> ()
    %add3A_14 = arith.constant 256 : i32
    %add3A_15 = arith.addi %mul3A_2, %add3A_14 : i32
    %run_scoped3A_16 = arith.constant 2 : i32
    "tpu.region"() ({
      %run_scoped3A_344 = tpu.sem_alloc : memref<!tpu.dma_semaphore, #tpu.memory_space<semaphore_mem>>
      %dma_start3A_345 = arith.constant 0 : i32
      %dma_start3A_346 = tpu.memref_slice %arg12[%run_scoped3A_16, %dma_start3A_345] : memref<4x128xi32, #tpu.memory_space<vmem>> -> memref<1x128xi32, #tpu.memory_space<vmem>>
      %dma_start3A_347 = tpu.memref_squeeze %dma_start3A_346 : memref<1x128xi32, #tpu.memory_space<vmem>> -> memref<128xi32, #tpu.memory_space<vmem>>
      %dma_start3A_348 = tpu.memref_slice %arg6[%add3A_15] : memref<16384xi32, #tpu.memory_space<hbm>> -> memref<128xi32, #tpu.memory_space<hbm>>
      %dma_start3A_349 = arith.constant 0 : i32
      %dma_start3A_350 = tpu.memref_slice %arg12[%run_scoped3A_16, %dma_start3A_349] : memref<4x128xi32, #tpu.memory_space<vmem>> -> memref<1x128xi32, #tpu.memory_space<vmem>>
      %dma_start3A_351 = tpu.memref_squeeze %dma_start3A_350 : memref<1x128xi32, #tpu.memory_space<vmem>> -> memref<128xi32, #tpu.memory_space<vmem>>
      %dma_start3A_352 = tpu.memref_slice %arg6[%add3A_15] : memref<16384xi32, #tpu.memory_space<hbm>> -> memref<128xi32, #tpu.memory_space<hbm>>
      tpu.enqueue_dma source(%dma_start3A_352 : memref<128xi32, #tpu.memory_space<hbm>>) target(%dma_start3A_351 : memref<128xi32, #tpu.memory_space<vmem>>) target_semaphore(%run_scoped3A_344 : memref<!tpu.dma_semaphore, #tpu.memory_space<semaphore_mem>>)
      %dma_wait3A_353 = arith.constant 0 : i32
      %dma_wait3A_354 = tpu.memref_slice %arg12[%run_scoped3A_16, %dma_wait3A_353] : memref<4x128xi32, #tpu.memory_space<vmem>> -> memref<1x128xi32, #tpu.memory_space<vmem>>
      %dma_wait3A_355 = tpu.memref_squeeze %dma_wait3A_354 : memref<1x128xi32, #tpu.memory_space<vmem>> -> memref<128xi32, #tpu.memory_space<vmem>>
      %dma_wait3A_356 = tpu.memref_slice %arg6[%add3A_15] : memref<16384xi32, #tpu.memory_space<hbm>> -> memref<128xi32, #tpu.memory_space<hbm>>
      %dma_wait3A_357 = arith.constant 0 : i32
      %dma_wait3A_358 = tpu.memref_slice %arg12[%run_scoped3A_16, %dma_wait3A_357] : memref<4x128xi32, #tpu.memory_space<vmem>> -> memref<1x128xi32, #tpu.memory_space<vmem>>
      %dma_wait3A_359 = tpu.memref_squeeze %dma_wait3A_358 : memref<1x128xi32, #tpu.memory_space<vmem>> -> memref<128xi32, #tpu.memory_space<vmem>>
      %dma_wait3A_360 = tpu.memref_slice %arg6[%add3A_15] : memref<16384xi32, #tpu.memory_space<hbm>> -> memref<128xi32, #tpu.memory_space<hbm>>
      tpu.wait_dma2 semaphore(%run_scoped3A_344 : memref<!tpu.dma_semaphore, #tpu.memory_space<semaphore_mem>>) src(%dma_wait3A_360 : memref<128xi32, #tpu.memory_space<hbm>>) dst(%dma_wait3A_359 : memref<128xi32, #tpu.memory_space<vmem>>)
      tpu.yield
    }) : () -> ()
    %add3A_17 = arith.constant 256 : i32
    %add3A_18 = arith.addi %mul3A_2, %add3A_17 : i32
    %run_scoped3A_19 = arith.constant 2 : i32
    "tpu.region"() ({
      %run_scoped3A_344 = tpu.sem_alloc : memref<!tpu.dma_semaphore, #tpu.memory_space<semaphore_mem>>
      %dma_start3A_345 = arith.constant 0 : i32
      %dma_start3A_346 = tpu.memref_slice %arg13[%run_scoped3A_19, %dma_start3A_345] : memref<4x128xi32, #tpu.memory_space<vmem>> -> memref<1x128xi32, #tpu.memory_space<vmem>>
      %dma_start3A_347 = tpu.memref_squeeze %dma_start3A_346 : memref<1x128xi32, #tpu.memory_space<vmem>> -> memref<128xi32, #tpu.memory_space<vmem>>
      %dma_start3A_348 = tpu.memref_slice %arg7[%add3A_18] : memref<16384xi32, #tpu.memory_space<hbm>> -> memref<128xi32, #tpu.memory_space<hbm>>
      %dma_start3A_349 = arith.constant 0 : i32
      %dma_start3A_350 = tpu.memref_slice %arg13[%run_scoped3A_19, %dma_start3A_349] : memref<4x128xi32, #tpu.memory_space<vmem>> -> memref<1x128xi32, #tpu.memory_space<vmem>>
      %dma_start3A_351 = tpu.memref_squeeze %dma_start3A_350 : memref<1x128xi32, #tpu.memory_space<vmem>> -> memref<128xi32, #tpu.memory_space<vmem>>
      %dma_start3A_352 = tpu.memref_slice %arg7[%add3A_18] : memref<16384xi32, #tpu.memory_space<hbm>> -> memref<128xi32, #tpu.memory_space<hbm>>
      tpu.enqueue_dma source(%dma_start3A_352 : memref<128xi32, #tpu.memory_space<hbm>>) target(%dma_start3A_351 : memref<128xi32, #tpu.memory_space<vmem>>) target_semaphore(%run_scoped3A_344 : memref<!tpu.dma_semaphore, #tpu.memory_space<semaphore_mem>>)
      %dma_wait3A_353 = arith.constant 0 : i32
      %dma_wait3A_354 = tpu.memref_slice %arg13[%run_scoped3A_19, %dma_wait3A_353] : memref<4x128xi32, #tpu.memory_space<vmem>> -> memref<1x128xi32, #tpu.memory_space<vmem>>
      %dma_wait3A_355 = tpu.memref_squeeze %dma_wait3A_354 : memref<1x128xi32, #tpu.memory_space<vmem>> -> memref<128xi32, #tpu.memory_space<vmem>>
      %dma_wait3A_356 = tpu.memref_slice %arg7[%add3A_18] : memref<16384xi32, #tpu.memory_space<hbm>> -> memref<128xi32, #tpu.memory_space<hbm>>
      %dma_wait3A_357 = arith.constant 0 : i32
      %dma_wait3A_358 = tpu.memref_slice %arg13[%run_scoped3A_19, %dma_wait3A_357] : memref<4x128xi32, #tpu.memory_space<vmem>> -> memref<1x128xi32, #tpu.memory_space<vmem>>
      %dma_wait3A_359 = tpu.memref_squeeze %dma_wait3A_358 : memref<1x128xi32, #tpu.memory_space<vmem>> -> memref<128xi32, #tpu.memory_space<vmem>>
      %dma_wait3A_360 = tpu.memref_slice %arg7[%add3A_18] : memref<16384xi32, #tpu.memory_space<hbm>> -> memref<128xi32, #tpu.memory_space<hbm>>
      tpu.wait_dma2 semaphore(%run_scoped3A_344 : memref<!tpu.dma_semaphore, #tpu.memory_space<semaphore_mem>>) src(%dma_wait3A_360 : memref<128xi32, #tpu.memory_space<hbm>>) dst(%dma_wait3A_359 : memref<128xi32, #tpu.memory_space<vmem>>)
      tpu.yield
    }) : () -> ()
    %add3A_20 = arith.constant 384 : i32
    %add3A_21 = arith.addi %mul3A_2, %add3A_20 : i32
    %run_scoped3A_22 = arith.constant 3 : i32
    "tpu.region"() ({
      %run_scoped3A_344 = tpu.sem_alloc : memref<!tpu.dma_semaphore, #tpu.memory_space<semaphore_mem>>
      %dma_start3A_345 = arith.constant 0 : i32
      %dma_start3A_346 = tpu.memref_slice %arg12[%run_scoped3A_22, %dma_start3A_345] : memref<4x128xi32, #tpu.memory_space<vmem>> -> memref<1x128xi32, #tpu.memory_space<vmem>>
      %dma_start3A_347 = tpu.memref_squeeze %dma_start3A_346 : memref<1x128xi32, #tpu.memory_space<vmem>> -> memref<128xi32, #tpu.memory_space<vmem>>
      %dma_start3A_348 = tpu.memref_slice %arg6[%add3A_21] : memref<16384xi32, #tpu.memory_space<hbm>> -> memref<128xi32, #tpu.memory_space<hbm>>
      %dma_start3A_349 = arith.constant 0 : i32
      %dma_start3A_350 = tpu.memref_slice %arg12[%run_scoped3A_22, %dma_start3A_349] : memref<4x128xi32, #tpu.memory_space<vmem>> -> memref<1x128xi32, #tpu.memory_space<vmem>>
      %dma_start3A_351 = tpu.memref_squeeze %dma_start3A_350 : memref<1x128xi32, #tpu.memory_space<vmem>> -> memref<128xi32, #tpu.memory_space<vmem>>
      %dma_start3A_352 = tpu.memref_slice %arg6[%add3A_21] : memref<16384xi32, #tpu.memory_space<hbm>> -> memref<128xi32, #tpu.memory_space<hbm>>
      tpu.enqueue_dma source(%dma_start3A_352 : memref<128xi32, #tpu.memory_space<hbm>>) target(%dma_start3A_351 : memref<128xi32, #tpu.memory_space<vmem>>) target_semaphore(%run_scoped3A_344 : memref<!tpu.dma_semaphore, #tpu.memory_space<semaphore_mem>>)
      %dma_wait3A_353 = arith.constant 0 : i32
      %dma_wait3A_354 = tpu.memref_slice %arg12[%run_scoped3A_22, %dma_wait3A_353] : memref<4x128xi32, #tpu.memory_space<vmem>> -> memref<1x128xi32, #tpu.memory_space<vmem>>
      %dma_wait3A_355 = tpu.memref_squeeze %dma_wait3A_354 : memref<1x128xi32, #tpu.memory_space<vmem>> -> memref<128xi32, #tpu.memory_space<vmem>>
      %dma_wait3A_356 = tpu.memref_slice %arg6[%add3A_21] : memref<16384xi32, #tpu.memory_space<hbm>> -> memref<128xi32, #tpu.memory_space<hbm>>
      %dma_wait3A_357 = arith.constant 0 : i32
      %dma_wait3A_358 = tpu.memref_slice %arg12[%run_scoped3A_22, %dma_wait3A_357] : memref<4x128xi32, #tpu.memory_space<vmem>> -> memref<1x128xi32, #tpu.memory_space<vmem>>
      %dma_wait3A_359 = tpu.memref_squeeze %dma_wait3A_358 : memref<1x128xi32, #tpu.memory_space<vmem>> -> memref<128xi32, #tpu.memory_space<vmem>>
      %dma_wait3A_360 = tpu.memref_slice %arg6[%add3A_21] : memref<16384xi32, #tpu.memory_space<hbm>> -> memref<128xi32, #tpu.memory_space<hbm>>
      tpu.wait_dma2 semaphore(%run_scoped3A_344 : memref<!tpu.dma_semaphore, #tpu.memory_space<semaphore_mem>>) src(%dma_wait3A_360 : memref<128xi32, #tpu.memory_space<hbm>>) dst(%dma_wait3A_359 : memref<128xi32, #tpu.memory_space<vmem>>)
      tpu.yield
    }) : () -> ()
    %add3A_23 = arith.constant 384 : i32
    %add3A_24 = arith.addi %mul3A_2, %add3A_23 : i32
    %run_scoped3A_25 = arith.constant 3 : i32
    "tpu.region"() ({
      %run_scoped3A_344 = tpu.sem_alloc : memref<!tpu.dma_semaphore, #tpu.memory_space<semaphore_mem>>
      %dma_start3A_345 = arith.constant 0 : i32
      %dma_start3A_346 = tpu.memref_slice %arg13[%run_scoped3A_25, %dma_start3A_345] : memref<4x128xi32, #tpu.memory_space<vmem>> -> memref<1x128xi32, #tpu.memory_space<vmem>>
      %dma_start3A_347 = tpu.memref_squeeze %dma_start3A_346 : memref<1x128xi32, #tpu.memory_space<vmem>> -> memref<128xi32, #tpu.memory_space<vmem>>
      %dma_start3A_348 = tpu.memref_slice %arg7[%add3A_24] : memref<16384xi32, #tpu.memory_space<hbm>> -> memref<128xi32, #tpu.memory_space<hbm>>
      %dma_start3A_349 = arith.constant 0 : i32
      %dma_start3A_350 = tpu.memref_slice %arg13[%run_scoped3A_25, %dma_start3A_349] : memref<4x128xi32, #tpu.memory_space<vmem>> -> memref<1x128xi32, #tpu.memory_space<vmem>>
      %dma_start3A_351 = tpu.memref_squeeze %dma_start3A_350 : memref<1x128xi32, #tpu.memory_space<vmem>> -> memref<128xi32, #tpu.memory_space<vmem>>
      %dma_start3A_352 = tpu.memref_slice %arg7[%add3A_24] : memref<16384xi32, #tpu.memory_space<hbm>> -> memref<128xi32, #tpu.memory_space<hbm>>
      tpu.enqueue_dma source(%dma_start3A_352 : memref<128xi32, #tpu.memory_space<hbm>>) target(%dma_start3A_351 : memref<128xi32, #tpu.memory_space<vmem>>) target_semaphore(%run_scoped3A_344 : memref<!tpu.dma_semaphore, #tpu.memory_space<semaphore_mem>>)
      %dma_wait3A_353 = arith.constant 0 : i32
      %dma_wait3A_354 = tpu.memref_slice %arg13[%run_scoped3A_25, %dma_wait3A_353] : memref<4x128xi32, #tpu.memory_space<vmem>> -> memref<1x128xi32, #tpu.memory_space<vmem>>
      %dma_wait3A_355 = tpu.memref_squeeze %dma_wait3A_354 : memref<1x128xi32, #tpu.memory_space<vmem>> -> memref<128xi32, #tpu.memory_space<vmem>>
      %dma_wait3A_356 = tpu.memref_slice %arg7[%add3A_24] : memref<16384xi32, #tpu.memory_space<hbm>> -> memref<128xi32, #tpu.memory_space<hbm>>
      %dma_wait3A_357 = arith.constant 0 : i32
      %dma_wait3A_358 = tpu.memref_slice %arg13[%run_scoped3A_25, %dma_wait3A_357] : memref<4x128xi32, #tpu.memory_space<vmem>> -> memref<1x128xi32, #tpu.memory_space<vmem>>
      %dma_wait3A_359 = tpu.memref_squeeze %dma_wait3A_358 : memref<1x128xi32, #tpu.memory_space<vmem>> -> memref<128xi32, #tpu.memory_space<vmem>>
      %dma_wait3A_360 = tpu.memref_slice %arg7[%add3A_24] : memref<16384xi32, #tpu.memory_space<hbm>> -> memref<128xi32, #tpu.memory_space<hbm>>
      tpu.wait_dma2 semaphore(%run_scoped3A_344 : memref<!tpu.dma_semaphore, #tpu.memory_space<semaphore_mem>>) src(%dma_wait3A_360 : memref<128xi32, #tpu.memory_space<hbm>>) dst(%dma_wait3A_359 : memref<128xi32, #tpu.memory_space<vmem>>)
      tpu.yield
    }) : () -> ()
    %dma_start3A = arith.constant 0 : i32
    %dma_start3A_26 = arith.constant 0 : i32
    %dma_start3A_27 = arith.constant 0 : i32
    %dma_start3A_28 = tpu.memref_slice %arg14[%dma_start3A_26, %dma_start3A_27] : memref<512x16xf32, #tpu.memory_space<vmem>> -> memref<128x16xf32, #tpu.memory_space<vmem>>
    %dma_start3A_29 = arith.constant 0 : i32
    %dma_start3A_30 = tpu.memref_slice %arg12[%dma_start3A, %dma_start3A_29] : memref<4x128xi32, #tpu.memory_space<vmem>> -> memref<1x128xi32, #tpu.memory_space<vmem>>
    %dma_start3A_31 = tpu.memref_squeeze %dma_start3A_30 : memref<1x128xi32, #tpu.memory_space<vmem>> -> memref<128xi32, #tpu.memory_space<vmem>>
    %dma_start3A_32 = arith.constant 0 : i32
    %dma_start3A_33 = arith.constant 0 : i32
    %dma_start3A_34 = tpu.memref_slice %arg2[%dma_start3A_32, %dma_start3A_33] : memref<1000000x16xf32, #tpu.memory_space<hbm>> -> memref<1000000x16xf32, #tpu.memory_space<hbm>>
    tpu.enqueue_indirect_dma source(%dma_start3A_34 : memref<1000000x16xf32, #tpu.memory_space<hbm>>) target(%dma_start3A_28 : memref<128x16xf32, #tpu.memory_space<vmem>>) offsets(%dma_start3A_31 : memref<128xi32, #tpu.memory_space<vmem>>) semaphore(%arg18 : memref<!tpu.dma_semaphore, #tpu.memory_space<semaphore_mem>>)
    %dma_start3A_35 = arith.constant 0 : i32
    %dma_start3A_36 = arith.constant 0 : i32
    %dma_start3A_37 = arith.constant 0 : i32
    %dma_start3A_38 = tpu.memref_slice %arg15[%dma_start3A_36, %dma_start3A_37] : memref<512x16xf32, #tpu.memory_space<vmem>> -> memref<128x16xf32, #tpu.memory_space<vmem>>
    %dma_start3A_39 = arith.constant 0 : i32
    %dma_start3A_40 = tpu.memref_slice %arg13[%dma_start3A_35, %dma_start3A_39] : memref<4x128xi32, #tpu.memory_space<vmem>> -> memref<1x128xi32, #tpu.memory_space<vmem>>
    %dma_start3A_41 = tpu.memref_squeeze %dma_start3A_40 : memref<1x128xi32, #tpu.memory_space<vmem>> -> memref<128xi32, #tpu.memory_space<vmem>>
    %dma_start3A_42 = arith.constant 0 : i32
    %dma_start3A_43 = arith.constant 0 : i32
    %dma_start3A_44 = tpu.memref_slice %arg3[%dma_start3A_42, %dma_start3A_43] : memref<1000000x16xf32, #tpu.memory_space<hbm>> -> memref<1000000x16xf32, #tpu.memory_space<hbm>>
    tpu.enqueue_indirect_dma source(%dma_start3A_44 : memref<1000000x16xf32, #tpu.memory_space<hbm>>) target(%dma_start3A_38 : memref<128x16xf32, #tpu.memory_space<vmem>>) offsets(%dma_start3A_41 : memref<128xi32, #tpu.memory_space<vmem>>) semaphore(%arg18 : memref<!tpu.dma_semaphore, #tpu.memory_space<semaphore_mem>>)
    %dma_start3A_45 = arith.constant 0 : i32
    %dma_start3A_46 = arith.constant 0 : i32
    %dma_start3A_47 = arith.constant 0 : i32
    %dma_start3A_48 = tpu.memref_slice %arg16[%dma_start3A_46, %dma_start3A_47] : memref<512x16xf32, #tpu.memory_space<vmem>> -> memref<128x16xf32, #tpu.memory_space<vmem>>
    %dma_start3A_49 = arith.constant 0 : i32
    %dma_start3A_50 = tpu.memref_slice %arg12[%dma_start3A_45, %dma_start3A_49] : memref<4x128xi32, #tpu.memory_space<vmem>> -> memref<1x128xi32, #tpu.memory_space<vmem>>
    %dma_start3A_51 = tpu.memref_squeeze %dma_start3A_50 : memref<1x128xi32, #tpu.memory_space<vmem>> -> memref<128xi32, #tpu.memory_space<vmem>>
    %dma_start3A_52 = arith.constant 0 : i32
    %dma_start3A_53 = arith.constant 0 : i32
    %dma_start3A_54 = tpu.memref_slice %arg4[%dma_start3A_52, %dma_start3A_53] : memref<1000000x16xf32, #tpu.memory_space<hbm>> -> memref<1000000x16xf32, #tpu.memory_space<hbm>>
    tpu.enqueue_indirect_dma source(%dma_start3A_54 : memref<1000000x16xf32, #tpu.memory_space<hbm>>) target(%dma_start3A_48 : memref<128x16xf32, #tpu.memory_space<vmem>>) offsets(%dma_start3A_51 : memref<128xi32, #tpu.memory_space<vmem>>) semaphore(%arg18 : memref<!tpu.dma_semaphore, #tpu.memory_space<semaphore_mem>>)
    %dma_start3A_55 = arith.constant 0 : i32
    %dma_start3A_56 = arith.constant 0 : i32
    %dma_start3A_57 = arith.constant 0 : i32
    %dma_start3A_58 = tpu.memref_slice %arg17[%dma_start3A_56, %dma_start3A_57] : memref<512x16xf32, #tpu.memory_space<vmem>> -> memref<128x16xf32, #tpu.memory_space<vmem>>
    %dma_start3A_59 = arith.constant 0 : i32
    %dma_start3A_60 = tpu.memref_slice %arg13[%dma_start3A_55, %dma_start3A_59] : memref<4x128xi32, #tpu.memory_space<vmem>> -> memref<1x128xi32, #tpu.memory_space<vmem>>
    %dma_start3A_61 = tpu.memref_squeeze %dma_start3A_60 : memref<1x128xi32, #tpu.memory_space<vmem>> -> memref<128xi32, #tpu.memory_space<vmem>>
    %dma_start3A_62 = arith.constant 0 : i32
    %dma_start3A_63 = arith.constant 0 : i32
    %dma_start3A_64 = tpu.memref_slice %arg5[%dma_start3A_62, %dma_start3A_63] : memref<1000000x16xf32, #tpu.memory_space<hbm>> -> memref<1000000x16xf32, #tpu.memory_space<hbm>>
    tpu.enqueue_indirect_dma source(%dma_start3A_64 : memref<1000000x16xf32, #tpu.memory_space<hbm>>) target(%dma_start3A_58 : memref<128x16xf32, #tpu.memory_space<vmem>>) offsets(%dma_start3A_61 : memref<128xi32, #tpu.memory_space<vmem>>) semaphore(%arg18 : memref<!tpu.dma_semaphore, #tpu.memory_space<semaphore_mem>>)
    %dma_start3A_65 = arith.constant 1 : i32
    %dma_start3A_66 = arith.constant 128 : i32
    %dma_start3A_67 = arith.constant 0 : i32
    %dma_start3A_68 = tpu.memref_slice %arg14[%dma_start3A_66, %dma_start3A_67] : memref<512x16xf32, #tpu.memory_space<vmem>> -> memref<128x16xf32, #tpu.memory_space<vmem>>
    %dma_start3A_69 = arith.constant 0 : i32
    %dma_start3A_70 = tpu.memref_slice %arg12[%dma_start3A_65, %dma_start3A_69] : memref<4x128xi32, #tpu.memory_space<vmem>> -> memref<1x128xi32, #tpu.memory_space<vmem>>
    %dma_start3A_71 = tpu.memref_squeeze %dma_start3A_70 : memref<1x128xi32, #tpu.memory_space<vmem>> -> memref<128xi32, #tpu.memory_space<vmem>>
    %dma_start3A_72 = arith.constant 0 : i32
    %dma_start3A_73 = arith.constant 0 : i32
    %dma_start3A_74 = tpu.memref_slice %arg2[%dma_start3A_72, %dma_start3A_73] : memref<1000000x16xf32, #tpu.memory_space<hbm>> -> memref<1000000x16xf32, #tpu.memory_space<hbm>>
    tpu.enqueue_indirect_dma source(%dma_start3A_74 : memref<1000000x16xf32, #tpu.memory_space<hbm>>) target(%dma_start3A_68 : memref<128x16xf32, #tpu.memory_space<vmem>>) offsets(%dma_start3A_71 : memref<128xi32, #tpu.memory_space<vmem>>) semaphore(%arg18 : memref<!tpu.dma_semaphore, #tpu.memory_space<semaphore_mem>>)
    %dma_start3A_75 = arith.constant 1 : i32
    %dma_start3A_76 = arith.constant 128 : i32
    %dma_start3A_77 = arith.constant 0 : i32
    %dma_start3A_78 = tpu.memref_slice %arg15[%dma_start3A_76, %dma_start3A_77] : memref<512x16xf32, #tpu.memory_space<vmem>> -> memref<128x16xf32, #tpu.memory_space<vmem>>
    %dma_start3A_79 = arith.constant 0 : i32
    %dma_start3A_80 = tpu.memref_slice %arg13[%dma_start3A_75, %dma_start3A_79] : memref<4x128xi32, #tpu.memory_space<vmem>> -> memref<1x128xi32, #tpu.memory_space<vmem>>
    %dma_start3A_81 = tpu.memref_squeeze %dma_start3A_80 : memref<1x128xi32, #tpu.memory_space<vmem>> -> memref<128xi32, #tpu.memory_space<vmem>>
    %dma_start3A_82 = arith.constant 0 : i32
    %dma_start3A_83 = arith.constant 0 : i32
    %dma_start3A_84 = tpu.memref_slice %arg3[%dma_start3A_82, %dma_start3A_83] : memref<1000000x16xf32, #tpu.memory_space<hbm>> -> memref<1000000x16xf32, #tpu.memory_space<hbm>>
    tpu.enqueue_indirect_dma source(%dma_start3A_84 : memref<1000000x16xf32, #tpu.memory_space<hbm>>) target(%dma_start3A_78 : memref<128x16xf32, #tpu.memory_space<vmem>>) offsets(%dma_start3A_81 : memref<128xi32, #tpu.memory_space<vmem>>) semaphore(%arg18 : memref<!tpu.dma_semaphore, #tpu.memory_space<semaphore_mem>>)
    %dma_start3A_85 = arith.constant 1 : i32
    %dma_start3A_86 = arith.constant 128 : i32
    %dma_start3A_87 = arith.constant 0 : i32
    %dma_start3A_88 = tpu.memref_slice %arg16[%dma_start3A_86, %dma_start3A_87] : memref<512x16xf32, #tpu.memory_space<vmem>> -> memref<128x16xf32, #tpu.memory_space<vmem>>
    %dma_start3A_89 = arith.constant 0 : i32
    %dma_start3A_90 = tpu.memref_slice %arg12[%dma_start3A_85, %dma_start3A_89] : memref<4x128xi32, #tpu.memory_space<vmem>> -> memref<1x128xi32, #tpu.memory_space<vmem>>
    %dma_start3A_91 = tpu.memref_squeeze %dma_start3A_90 : memref<1x128xi32, #tpu.memory_space<vmem>> -> memref<128xi32, #tpu.memory_space<vmem>>
    %dma_start3A_92 = arith.constant 0 : i32
    %dma_start3A_93 = arith.constant 0 : i32
    %dma_start3A_94 = tpu.memref_slice %arg4[%dma_start3A_92, %dma_start3A_93] : memref<1000000x16xf32, #tpu.memory_space<hbm>> -> memref<1000000x16xf32, #tpu.memory_space<hbm>>
    tpu.enqueue_indirect_dma source(%dma_start3A_94 : memref<1000000x16xf32, #tpu.memory_space<hbm>>) target(%dma_start3A_88 : memref<128x16xf32, #tpu.memory_space<vmem>>) offsets(%dma_start3A_91 : memref<128xi32, #tpu.memory_space<vmem>>) semaphore(%arg18 : memref<!tpu.dma_semaphore, #tpu.memory_space<semaphore_mem>>)
    %dma_start3A_95 = arith.constant 1 : i32
    %dma_start3A_96 = arith.constant 128 : i32
    %dma_start3A_97 = arith.constant 0 : i32
    %dma_start3A_98 = tpu.memref_slice %arg17[%dma_start3A_96, %dma_start3A_97] : memref<512x16xf32, #tpu.memory_space<vmem>> -> memref<128x16xf32, #tpu.memory_space<vmem>>
    %dma_start3A_99 = arith.constant 0 : i32
    %dma_start3A_100 = tpu.memref_slice %arg13[%dma_start3A_95, %dma_start3A_99] : memref<4x128xi32, #tpu.memory_space<vmem>> -> memref<1x128xi32, #tpu.memory_space<vmem>>
    %dma_start3A_101 = tpu.memref_squeeze %dma_start3A_100 : memref<1x128xi32, #tpu.memory_space<vmem>> -> memref<128xi32, #tpu.memory_space<vmem>>
    %dma_start3A_102 = arith.constant 0 : i32
    %dma_start3A_103 = arith.constant 0 : i32
    %dma_start3A_104 = tpu.memref_slice %arg5[%dma_start3A_102, %dma_start3A_103] : memref<1000000x16xf32, #tpu.memory_space<hbm>> -> memref<1000000x16xf32, #tpu.memory_space<hbm>>
    tpu.enqueue_indirect_dma source(%dma_start3A_104 : memref<1000000x16xf32, #tpu.memory_space<hbm>>) target(%dma_start3A_98 : memref<128x16xf32, #tpu.memory_space<vmem>>) offsets(%dma_start3A_101 : memref<128xi32, #tpu.memory_space<vmem>>) semaphore(%arg18 : memref<!tpu.dma_semaphore, #tpu.memory_space<semaphore_mem>>)
    %dma_start3A_105 = arith.constant 2 : i32
    %dma_start3A_106 = arith.constant 256 : i32
    %dma_start3A_107 = arith.constant 0 : i32
    %dma_start3A_108 = tpu.memref_slice %arg14[%dma_start3A_106, %dma_start3A_107] : memref<512x16xf32, #tpu.memory_space<vmem>> -> memref<128x16xf32, #tpu.memory_space<vmem>>
    %dma_start3A_109 = arith.constant 0 : i32
    %dma_start3A_110 = tpu.memref_slice %arg12[%dma_start3A_105, %dma_start3A_109] : memref<4x128xi32, #tpu.memory_space<vmem>> -> memref<1x128xi32, #tpu.memory_space<vmem>>
    %dma_start3A_111 = tpu.memref_squeeze %dma_start3A_110 : memref<1x128xi32, #tpu.memory_space<vmem>> -> memref<128xi32, #tpu.memory_space<vmem>>
    %dma_start3A_112 = arith.constant 0 : i32
    %dma_start3A_113 = arith.constant 0 : i32
    %dma_start3A_114 = tpu.memref_slice %arg2[%dma_start3A_112, %dma_start3A_113] : memref<1000000x16xf32, #tpu.memory_space<hbm>> -> memref<1000000x16xf32, #tpu.memory_space<hbm>>
    tpu.enqueue_indirect_dma source(%dma_start3A_114 : memref<1000000x16xf32, #tpu.memory_space<hbm>>) target(%dma_start3A_108 : memref<128x16xf32, #tpu.memory_space<vmem>>) offsets(%dma_start3A_111 : memref<128xi32, #tpu.memory_space<vmem>>) semaphore(%arg18 : memref<!tpu.dma_semaphore, #tpu.memory_space<semaphore_mem>>)
    %dma_start3A_115 = arith.constant 2 : i32
    %dma_start3A_116 = arith.constant 256 : i32
    %dma_start3A_117 = arith.constant 0 : i32
    %dma_start3A_118 = tpu.memref_slice %arg15[%dma_start3A_116, %dma_start3A_117] : memref<512x16xf32, #tpu.memory_space<vmem>> -> memref<128x16xf32, #tpu.memory_space<vmem>>
    %dma_start3A_119 = arith.constant 0 : i32
    %dma_start3A_120 = tpu.memref_slice %arg13[%dma_start3A_115, %dma_start3A_119] : memref<4x128xi32, #tpu.memory_space<vmem>> -> memref<1x128xi32, #tpu.memory_space<vmem>>
    %dma_start3A_121 = tpu.memref_squeeze %dma_start3A_120 : memref<1x128xi32, #tpu.memory_space<vmem>> -> memref<128xi32, #tpu.memory_space<vmem>>
    %dma_start3A_122 = arith.constant 0 : i32
    %dma_start3A_123 = arith.constant 0 : i32
    %dma_start3A_124 = tpu.memref_slice %arg3[%dma_start3A_122, %dma_start3A_123] : memref<1000000x16xf32, #tpu.memory_space<hbm>> -> memref<1000000x16xf32, #tpu.memory_space<hbm>>
    tpu.enqueue_indirect_dma source(%dma_start3A_124 : memref<1000000x16xf32, #tpu.memory_space<hbm>>) target(%dma_start3A_118 : memref<128x16xf32, #tpu.memory_space<vmem>>) offsets(%dma_start3A_121 : memref<128xi32, #tpu.memory_space<vmem>>) semaphore(%arg18 : memref<!tpu.dma_semaphore, #tpu.memory_space<semaphore_mem>>)
    %dma_start3A_125 = arith.constant 2 : i32
    %dma_start3A_126 = arith.constant 256 : i32
    %dma_start3A_127 = arith.constant 0 : i32
    %dma_start3A_128 = tpu.memref_slice %arg16[%dma_start3A_126, %dma_start3A_127] : memref<512x16xf32, #tpu.memory_space<vmem>> -> memref<128x16xf32, #tpu.memory_space<vmem>>
    %dma_start3A_129 = arith.constant 0 : i32
    %dma_start3A_130 = tpu.memref_slice %arg12[%dma_start3A_125, %dma_start3A_129] : memref<4x128xi32, #tpu.memory_space<vmem>> -> memref<1x128xi32, #tpu.memory_space<vmem>>
    %dma_start3A_131 = tpu.memref_squeeze %dma_start3A_130 : memref<1x128xi32, #tpu.memory_space<vmem>> -> memref<128xi32, #tpu.memory_space<vmem>>
    %dma_start3A_132 = arith.constant 0 : i32
    %dma_start3A_133 = arith.constant 0 : i32
    %dma_start3A_134 = tpu.memref_slice %arg4[%dma_start3A_132, %dma_start3A_133] : memref<1000000x16xf32, #tpu.memory_space<hbm>> -> memref<1000000x16xf32, #tpu.memory_space<hbm>>
    tpu.enqueue_indirect_dma source(%dma_start3A_134 : memref<1000000x16xf32, #tpu.memory_space<hbm>>) target(%dma_start3A_128 : memref<128x16xf32, #tpu.memory_space<vmem>>) offsets(%dma_start3A_131 : memref<128xi32, #tpu.memory_space<vmem>>) semaphore(%arg18 : memref<!tpu.dma_semaphore, #tpu.memory_space<semaphore_mem>>)
    %dma_start3A_135 = arith.constant 2 : i32
    %dma_start3A_136 = arith.constant 256 : i32
    %dma_start3A_137 = arith.constant 0 : i32
    %dma_start3A_138 = tpu.memref_slice %arg17[%dma_start3A_136, %dma_start3A_137] : memref<512x16xf32, #tpu.memory_space<vmem>> -> memref<128x16xf32, #tpu.memory_space<vmem>>
    %dma_start3A_139 = arith.constant 0 : i32
    %dma_start3A_140 = tpu.memref_slice %arg13[%dma_start3A_135, %dma_start3A_139] : memref<4x128xi32, #tpu.memory_space<vmem>> -> memref<1x128xi32, #tpu.memory_space<vmem>>
    %dma_start3A_141 = tpu.memref_squeeze %dma_start3A_140 : memref<1x128xi32, #tpu.memory_space<vmem>> -> memref<128xi32, #tpu.memory_space<vmem>>
    %dma_start3A_142 = arith.constant 0 : i32
    %dma_start3A_143 = arith.constant 0 : i32
    %dma_start3A_144 = tpu.memref_slice %arg5[%dma_start3A_142, %dma_start3A_143] : memref<1000000x16xf32, #tpu.memory_space<hbm>> -> memref<1000000x16xf32, #tpu.memory_space<hbm>>
    tpu.enqueue_indirect_dma source(%dma_start3A_144 : memref<1000000x16xf32, #tpu.memory_space<hbm>>) target(%dma_start3A_138 : memref<128x16xf32, #tpu.memory_space<vmem>>) offsets(%dma_start3A_141 : memref<128xi32, #tpu.memory_space<vmem>>) semaphore(%arg18 : memref<!tpu.dma_semaphore, #tpu.memory_space<semaphore_mem>>)
    %dma_start3A_145 = arith.constant 3 : i32
    %dma_start3A_146 = arith.constant 384 : i32
    %dma_start3A_147 = arith.constant 0 : i32
    %dma_start3A_148 = tpu.memref_slice %arg14[%dma_start3A_146, %dma_start3A_147] : memref<512x16xf32, #tpu.memory_space<vmem>> -> memref<128x16xf32, #tpu.memory_space<vmem>>
    %dma_start3A_149 = arith.constant 0 : i32
    %dma_start3A_150 = tpu.memref_slice %arg12[%dma_start3A_145, %dma_start3A_149] : memref<4x128xi32, #tpu.memory_space<vmem>> -> memref<1x128xi32, #tpu.memory_space<vmem>>
    %dma_start3A_151 = tpu.memref_squeeze %dma_start3A_150 : memref<1x128xi32, #tpu.memory_space<vmem>> -> memref<128xi32, #tpu.memory_space<vmem>>
    %dma_start3A_152 = arith.constant 0 : i32
    %dma_start3A_153 = arith.constant 0 : i32
    %dma_start3A_154 = tpu.memref_slice %arg2[%dma_start3A_152, %dma_start3A_153] : memref<1000000x16xf32, #tpu.memory_space<hbm>> -> memref<1000000x16xf32, #tpu.memory_space<hbm>>
    tpu.enqueue_indirect_dma source(%dma_start3A_154 : memref<1000000x16xf32, #tpu.memory_space<hbm>>) target(%dma_start3A_148 : memref<128x16xf32, #tpu.memory_space<vmem>>) offsets(%dma_start3A_151 : memref<128xi32, #tpu.memory_space<vmem>>) semaphore(%arg18 : memref<!tpu.dma_semaphore, #tpu.memory_space<semaphore_mem>>)
    %dma_start3A_155 = arith.constant 3 : i32
    %dma_start3A_156 = arith.constant 384 : i32
    %dma_start3A_157 = arith.constant 0 : i32
    %dma_start3A_158 = tpu.memref_slice %arg15[%dma_start3A_156, %dma_start3A_157] : memref<512x16xf32, #tpu.memory_space<vmem>> -> memref<128x16xf32, #tpu.memory_space<vmem>>
    %dma_start3A_159 = arith.constant 0 : i32
    %dma_start3A_160 = tpu.memref_slice %arg13[%dma_start3A_155, %dma_start3A_159] : memref<4x128xi32, #tpu.memory_space<vmem>> -> memref<1x128xi32, #tpu.memory_space<vmem>>
    %dma_start3A_161 = tpu.memref_squeeze %dma_start3A_160 : memref<1x128xi32, #tpu.memory_space<vmem>> -> memref<128xi32, #tpu.memory_space<vmem>>
    %dma_start3A_162 = arith.constant 0 : i32
    %dma_start3A_163 = arith.constant 0 : i32
    %dma_start3A_164 = tpu.memref_slice %arg3[%dma_start3A_162, %dma_start3A_163] : memref<1000000x16xf32, #tpu.memory_space<hbm>> -> memref<1000000x16xf32, #tpu.memory_space<hbm>>
    tpu.enqueue_indirect_dma source(%dma_start3A_164 : memref<1000000x16xf32, #tpu.memory_space<hbm>>) target(%dma_start3A_158 : memref<128x16xf32, #tpu.memory_space<vmem>>) offsets(%dma_start3A_161 : memref<128xi32, #tpu.memory_space<vmem>>) semaphore(%arg18 : memref<!tpu.dma_semaphore, #tpu.memory_space<semaphore_mem>>)
    %dma_start3A_165 = arith.constant 3 : i32
    %dma_start3A_166 = arith.constant 384 : i32
    %dma_start3A_167 = arith.constant 0 : i32
    %dma_start3A_168 = tpu.memref_slice %arg16[%dma_start3A_166, %dma_start3A_167] : memref<512x16xf32, #tpu.memory_space<vmem>> -> memref<128x16xf32, #tpu.memory_space<vmem>>
    %dma_start3A_169 = arith.constant 0 : i32
    %dma_start3A_170 = tpu.memref_slice %arg12[%dma_start3A_165, %dma_start3A_169] : memref<4x128xi32, #tpu.memory_space<vmem>> -> memref<1x128xi32, #tpu.memory_space<vmem>>
    %dma_start3A_171 = tpu.memref_squeeze %dma_start3A_170 : memref<1x128xi32, #tpu.memory_space<vmem>> -> memref<128xi32, #tpu.memory_space<vmem>>
    %dma_start3A_172 = arith.constant 0 : i32
    %dma_start3A_173 = arith.constant 0 : i32
    %dma_start3A_174 = tpu.memref_slice %arg4[%dma_start3A_172, %dma_start3A_173] : memref<1000000x16xf32, #tpu.memory_space<hbm>> -> memref<1000000x16xf32, #tpu.memory_space<hbm>>
    tpu.enqueue_indirect_dma source(%dma_start3A_174 : memref<1000000x16xf32, #tpu.memory_space<hbm>>) target(%dma_start3A_168 : memref<128x16xf32, #tpu.memory_space<vmem>>) offsets(%dma_start3A_171 : memref<128xi32, #tpu.memory_space<vmem>>) semaphore(%arg18 : memref<!tpu.dma_semaphore, #tpu.memory_space<semaphore_mem>>)
    %dma_start3A_175 = arith.constant 3 : i32
    %dma_start3A_176 = arith.constant 384 : i32
    %dma_start3A_177 = arith.constant 0 : i32
    %dma_start3A_178 = tpu.memref_slice %arg17[%dma_start3A_176, %dma_start3A_177] : memref<512x16xf32, #tpu.memory_space<vmem>> -> memref<128x16xf32, #tpu.memory_space<vmem>>
    %dma_start3A_179 = arith.constant 0 : i32
    %dma_start3A_180 = tpu.memref_slice %arg13[%dma_start3A_175, %dma_start3A_179] : memref<4x128xi32, #tpu.memory_space<vmem>> -> memref<1x128xi32, #tpu.memory_space<vmem>>
    %dma_start3A_181 = tpu.memref_squeeze %dma_start3A_180 : memref<1x128xi32, #tpu.memory_space<vmem>> -> memref<128xi32, #tpu.memory_space<vmem>>
    %dma_start3A_182 = arith.constant 0 : i32
    %dma_start3A_183 = arith.constant 0 : i32
    %dma_start3A_184 = tpu.memref_slice %arg5[%dma_start3A_182, %dma_start3A_183] : memref<1000000x16xf32, #tpu.memory_space<hbm>> -> memref<1000000x16xf32, #tpu.memory_space<hbm>>
    tpu.enqueue_indirect_dma source(%dma_start3A_184 : memref<1000000x16xf32, #tpu.memory_space<hbm>>) target(%dma_start3A_178 : memref<128x16xf32, #tpu.memory_space<vmem>>) offsets(%dma_start3A_181 : memref<128xi32, #tpu.memory_space<vmem>>) semaphore(%arg18 : memref<!tpu.dma_semaphore, #tpu.memory_space<semaphore_mem>>)
    %dma_wait3A = arith.constant 0 : i32
    %dma_wait3A_185 = arith.constant 0 : i32
    %dma_wait3A_186 = arith.constant 0 : i32
    %dma_wait3A_187 = tpu.memref_slice %arg14[%dma_wait3A_185, %dma_wait3A_186] : memref<512x16xf32, #tpu.memory_space<vmem>> -> memref<128x16xf32, #tpu.memory_space<vmem>>
    %dma_wait3A_188 = arith.constant 0 : i32
    %dma_wait3A_189 = tpu.memref_slice %arg12[%dma_wait3A, %dma_wait3A_188] : memref<4x128xi32, #tpu.memory_space<vmem>> -> memref<1x128xi32, #tpu.memory_space<vmem>>
    %dma_wait3A_190 = tpu.memref_squeeze %dma_wait3A_189 : memref<1x128xi32, #tpu.memory_space<vmem>> -> memref<128xi32, #tpu.memory_space<vmem>>
    %dma_wait3A_191 = arith.constant 0 : i32
    %dma_wait3A_192 = arith.constant 0 : i32
    %dma_wait3A_193 = tpu.memref_slice %arg2[%dma_wait3A_191, %dma_wait3A_192] : memref<1000000x16xf32, #tpu.memory_space<hbm>> -> memref<1000000x16xf32, #tpu.memory_space<hbm>>
    tpu.wait_indirect_dma semaphore(%arg18 : memref<!tpu.dma_semaphore, #tpu.memory_space<semaphore_mem>>) src(%dma_wait3A_193 : memref<1000000x16xf32, #tpu.memory_space<hbm>>) dst(%dma_wait3A_187 : memref<128x16xf32, #tpu.memory_space<vmem>>)
    %dma_wait3A_194 = arith.constant 0 : i32
    %dma_wait3A_195 = arith.constant 0 : i32
    %dma_wait3A_196 = arith.constant 0 : i32
    %dma_wait3A_197 = tpu.memref_slice %arg15[%dma_wait3A_195, %dma_wait3A_196] : memref<512x16xf32, #tpu.memory_space<vmem>> -> memref<128x16xf32, #tpu.memory_space<vmem>>
    %dma_wait3A_198 = arith.constant 0 : i32
    %dma_wait3A_199 = tpu.memref_slice %arg13[%dma_wait3A_194, %dma_wait3A_198] : memref<4x128xi32, #tpu.memory_space<vmem>> -> memref<1x128xi32, #tpu.memory_space<vmem>>
    %dma_wait3A_200 = tpu.memref_squeeze %dma_wait3A_199 : memref<1x128xi32, #tpu.memory_space<vmem>> -> memref<128xi32, #tpu.memory_space<vmem>>
    %dma_wait3A_201 = arith.constant 0 : i32
    %dma_wait3A_202 = arith.constant 0 : i32
    %dma_wait3A_203 = tpu.memref_slice %arg3[%dma_wait3A_201, %dma_wait3A_202] : memref<1000000x16xf32, #tpu.memory_space<hbm>> -> memref<1000000x16xf32, #tpu.memory_space<hbm>>
    tpu.wait_indirect_dma semaphore(%arg18 : memref<!tpu.dma_semaphore, #tpu.memory_space<semaphore_mem>>) src(%dma_wait3A_203 : memref<1000000x16xf32, #tpu.memory_space<hbm>>) dst(%dma_wait3A_197 : memref<128x16xf32, #tpu.memory_space<vmem>>)
    %dma_wait3A_204 = arith.constant 0 : i32
    %dma_wait3A_205 = arith.constant 0 : i32
    %dma_wait3A_206 = arith.constant 0 : i32
    %dma_wait3A_207 = tpu.memref_slice %arg16[%dma_wait3A_205, %dma_wait3A_206] : memref<512x16xf32, #tpu.memory_space<vmem>> -> memref<128x16xf32, #tpu.memory_space<vmem>>
    %dma_wait3A_208 = arith.constant 0 : i32
    %dma_wait3A_209 = tpu.memref_slice %arg12[%dma_wait3A_204, %dma_wait3A_208] : memref<4x128xi32, #tpu.memory_space<vmem>> -> memref<1x128xi32, #tpu.memory_space<vmem>>
    %dma_wait3A_210 = tpu.memref_squeeze %dma_wait3A_209 : memref<1x128xi32, #tpu.memory_space<vmem>> -> memref<128xi32, #tpu.memory_space<vmem>>
    %dma_wait3A_211 = arith.constant 0 : i32
    %dma_wait3A_212 = arith.constant 0 : i32
    %dma_wait3A_213 = tpu.memref_slice %arg4[%dma_wait3A_211, %dma_wait3A_212] : memref<1000000x16xf32, #tpu.memory_space<hbm>> -> memref<1000000x16xf32, #tpu.memory_space<hbm>>
    tpu.wait_indirect_dma semaphore(%arg18 : memref<!tpu.dma_semaphore, #tpu.memory_space<semaphore_mem>>) src(%dma_wait3A_213 : memref<1000000x16xf32, #tpu.memory_space<hbm>>) dst(%dma_wait3A_207 : memref<128x16xf32, #tpu.memory_space<vmem>>)
    %dma_wait3A_214 = arith.constant 0 : i32
    %dma_wait3A_215 = arith.constant 0 : i32
    %dma_wait3A_216 = arith.constant 0 : i32
    %dma_wait3A_217 = tpu.memref_slice %arg17[%dma_wait3A_215, %dma_wait3A_216] : memref<512x16xf32, #tpu.memory_space<vmem>> -> memref<128x16xf32, #tpu.memory_space<vmem>>
    %dma_wait3A_218 = arith.constant 0 : i32
    %dma_wait3A_219 = tpu.memref_slice %arg13[%dma_wait3A_214, %dma_wait3A_218] : memref<4x128xi32, #tpu.memory_space<vmem>> -> memref<1x128xi32, #tpu.memory_space<vmem>>
    %dma_wait3A_220 = tpu.memref_squeeze %dma_wait3A_219 : memref<1x128xi32, #tpu.memory_space<vmem>> -> memref<128xi32, #tpu.memory_space<vmem>>
    %dma_wait3A_221 = arith.constant 0 : i32
    %dma_wait3A_222 = arith.constant 0 : i32
    %dma_wait3A_223 = tpu.memref_slice %arg5[%dma_wait3A_221, %dma_wait3A_222] : memref<1000000x16xf32, #tpu.memory_space<hbm>> -> memref<1000000x16xf32, #tpu.memory_space<hbm>>
    tpu.wait_indirect_dma semaphore(%arg18 : memref<!tpu.dma_semaphore, #tpu.memory_space<semaphore_mem>>) src(%dma_wait3A_223 : memref<1000000x16xf32, #tpu.memory_space<hbm>>) dst(%dma_wait3A_217 : memref<128x16xf32, #tpu.memory_space<vmem>>)
    %dma_wait3A_224 = arith.constant 1 : i32
    %dma_wait3A_225 = arith.constant 128 : i32
    %dma_wait3A_226 = arith.constant 0 : i32
    %dma_wait3A_227 = tpu.memref_slice %arg14[%dma_wait3A_225, %dma_wait3A_226] : memref<512x16xf32, #tpu.memory_space<vmem>> -> memref<128x16xf32, #tpu.memory_space<vmem>>
    %dma_wait3A_228 = arith.constant 0 : i32
    %dma_wait3A_229 = tpu.memref_slice %arg12[%dma_wait3A_224, %dma_wait3A_228] : memref<4x128xi32, #tpu.memory_space<vmem>> -> memref<1x128xi32, #tpu.memory_space<vmem>>
    %dma_wait3A_230 = tpu.memref_squeeze %dma_wait3A_229 : memref<1x128xi32, #tpu.memory_space<vmem>> -> memref<128xi32, #tpu.memory_space<vmem>>
    %dma_wait3A_231 = arith.constant 0 : i32
    %dma_wait3A_232 = arith.constant 0 : i32
    %dma_wait3A_233 = tpu.memref_slice %arg2[%dma_wait3A_231, %dma_wait3A_232] : memref<1000000x16xf32, #tpu.memory_space<hbm>> -> memref<1000000x16xf32, #tpu.memory_space<hbm>>
    tpu.wait_indirect_dma semaphore(%arg18 : memref<!tpu.dma_semaphore, #tpu.memory_space<semaphore_mem>>) src(%dma_wait3A_233 : memref<1000000x16xf32, #tpu.memory_space<hbm>>) dst(%dma_wait3A_227 : memref<128x16xf32, #tpu.memory_space<vmem>>)
    %dma_wait3A_234 = arith.constant 1 : i32
    %dma_wait3A_235 = arith.constant 128 : i32
    %dma_wait3A_236 = arith.constant 0 : i32
    %dma_wait3A_237 = tpu.memref_slice %arg15[%dma_wait3A_235, %dma_wait3A_236] : memref<512x16xf32, #tpu.memory_space<vmem>> -> memref<128x16xf32, #tpu.memory_space<vmem>>
    %dma_wait3A_238 = arith.constant 0 : i32
    %dma_wait3A_239 = tpu.memref_slice %arg13[%dma_wait3A_234, %dma_wait3A_238] : memref<4x128xi32, #tpu.memory_space<vmem>> -> memref<1x128xi32, #tpu.memory_space<vmem>>
    %dma_wait3A_240 = tpu.memref_squeeze %dma_wait3A_239 : memref<1x128xi32, #tpu.memory_space<vmem>> -> memref<128xi32, #tpu.memory_space<vmem>>
    %dma_wait3A_241 = arith.constant 0 : i32
    %dma_wait3A_242 = arith.constant 0 : i32
    %dma_wait3A_243 = tpu.memref_slice %arg3[%dma_wait3A_241, %dma_wait3A_242] : memref<1000000x16xf32, #tpu.memory_space<hbm>> -> memref<1000000x16xf32, #tpu.memory_space<hbm>>
    tpu.wait_indirect_dma semaphore(%arg18 : memref<!tpu.dma_semaphore, #tpu.memory_space<semaphore_mem>>) src(%dma_wait3A_243 : memref<1000000x16xf32, #tpu.memory_space<hbm>>) dst(%dma_wait3A_237 : memref<128x16xf32, #tpu.memory_space<vmem>>)
    %dma_wait3A_244 = arith.constant 1 : i32
    %dma_wait3A_245 = arith.constant 128 : i32
    %dma_wait3A_246 = arith.constant 0 : i32
    %dma_wait3A_247 = tpu.memref_slice %arg16[%dma_wait3A_245, %dma_wait3A_246] : memref<512x16xf32, #tpu.memory_space<vmem>> -> memref<128x16xf32, #tpu.memory_space<vmem>>
    %dma_wait3A_248 = arith.constant 0 : i32
    %dma_wait3A_249 = tpu.memref_slice %arg12[%dma_wait3A_244, %dma_wait3A_248] : memref<4x128xi32, #tpu.memory_space<vmem>> -> memref<1x128xi32, #tpu.memory_space<vmem>>
    %dma_wait3A_250 = tpu.memref_squeeze %dma_wait3A_249 : memref<1x128xi32, #tpu.memory_space<vmem>> -> memref<128xi32, #tpu.memory_space<vmem>>
    %dma_wait3A_251 = arith.constant 0 : i32
    %dma_wait3A_252 = arith.constant 0 : i32
    %dma_wait3A_253 = tpu.memref_slice %arg4[%dma_wait3A_251, %dma_wait3A_252] : memref<1000000x16xf32, #tpu.memory_space<hbm>> -> memref<1000000x16xf32, #tpu.memory_space<hbm>>
    tpu.wait_indirect_dma semaphore(%arg18 : memref<!tpu.dma_semaphore, #tpu.memory_space<semaphore_mem>>) src(%dma_wait3A_253 : memref<1000000x16xf32, #tpu.memory_space<hbm>>) dst(%dma_wait3A_247 : memref<128x16xf32, #tpu.memory_space<vmem>>)
    %dma_wait3A_254 = arith.constant 1 : i32
    %dma_wait3A_255 = arith.constant 128 : i32
    %dma_wait3A_256 = arith.constant 0 : i32
    %dma_wait3A_257 = tpu.memref_slice %arg17[%dma_wait3A_255, %dma_wait3A_256] : memref<512x16xf32, #tpu.memory_space<vmem>> -> memref<128x16xf32, #tpu.memory_space<vmem>>
    %dma_wait3A_258 = arith.constant 0 : i32
    %dma_wait3A_259 = tpu.memref_slice %arg13[%dma_wait3A_254, %dma_wait3A_258] : memref<4x128xi32, #tpu.memory_space<vmem>> -> memref<1x128xi32, #tpu.memory_space<vmem>>
    %dma_wait3A_260 = tpu.memref_squeeze %dma_wait3A_259 : memref<1x128xi32, #tpu.memory_space<vmem>> -> memref<128xi32, #tpu.memory_space<vmem>>
    %dma_wait3A_261 = arith.constant 0 : i32
    %dma_wait3A_262 = arith.constant 0 : i32
    %dma_wait3A_263 = tpu.memref_slice %arg5[%dma_wait3A_261, %dma_wait3A_262] : memref<1000000x16xf32, #tpu.memory_space<hbm>> -> memref<1000000x16xf32, #tpu.memory_space<hbm>>
    tpu.wait_indirect_dma semaphore(%arg18 : memref<!tpu.dma_semaphore, #tpu.memory_space<semaphore_mem>>) src(%dma_wait3A_263 : memref<1000000x16xf32, #tpu.memory_space<hbm>>) dst(%dma_wait3A_257 : memref<128x16xf32, #tpu.memory_space<vmem>>)
    %dma_wait3A_264 = arith.constant 2 : i32
    %dma_wait3A_265 = arith.constant 256 : i32
    %dma_wait3A_266 = arith.constant 0 : i32
    %dma_wait3A_267 = tpu.memref_slice %arg14[%dma_wait3A_265, %dma_wait3A_266] : memref<512x16xf32, #tpu.memory_space<vmem>> -> memref<128x16xf32, #tpu.memory_space<vmem>>
    %dma_wait3A_268 = arith.constant 0 : i32
    %dma_wait3A_269 = tpu.memref_slice %arg12[%dma_wait3A_264, %dma_wait3A_268] : memref<4x128xi32, #tpu.memory_space<vmem>> -> memref<1x128xi32, #tpu.memory_space<vmem>>
    %dma_wait3A_270 = tpu.memref_squeeze %dma_wait3A_269 : memref<1x128xi32, #tpu.memory_space<vmem>> -> memref<128xi32, #tpu.memory_space<vmem>>
    %dma_wait3A_271 = arith.constant 0 : i32
    %dma_wait3A_272 = arith.constant 0 : i32
    %dma_wait3A_273 = tpu.memref_slice %arg2[%dma_wait3A_271, %dma_wait3A_272] : memref<1000000x16xf32, #tpu.memory_space<hbm>> -> memref<1000000x16xf32, #tpu.memory_space<hbm>>
    tpu.wait_indirect_dma semaphore(%arg18 : memref<!tpu.dma_semaphore, #tpu.memory_space<semaphore_mem>>) src(%dma_wait3A_273 : memref<1000000x16xf32, #tpu.memory_space<hbm>>) dst(%dma_wait3A_267 : memref<128x16xf32, #tpu.memory_space<vmem>>)
    %dma_wait3A_274 = arith.constant 2 : i32
    %dma_wait3A_275 = arith.constant 256 : i32
    %dma_wait3A_276 = arith.constant 0 : i32
    %dma_wait3A_277 = tpu.memref_slice %arg15[%dma_wait3A_275, %dma_wait3A_276] : memref<512x16xf32, #tpu.memory_space<vmem>> -> memref<128x16xf32, #tpu.memory_space<vmem>>
    %dma_wait3A_278 = arith.constant 0 : i32
    %dma_wait3A_279 = tpu.memref_slice %arg13[%dma_wait3A_274, %dma_wait3A_278] : memref<4x128xi32, #tpu.memory_space<vmem>> -> memref<1x128xi32, #tpu.memory_space<vmem>>
    %dma_wait3A_280 = tpu.memref_squeeze %dma_wait3A_279 : memref<1x128xi32, #tpu.memory_space<vmem>> -> memref<128xi32, #tpu.memory_space<vmem>>
    %dma_wait3A_281 = arith.constant 0 : i32
    %dma_wait3A_282 = arith.constant 0 : i32
    %dma_wait3A_283 = tpu.memref_slice %arg3[%dma_wait3A_281, %dma_wait3A_282] : memref<1000000x16xf32, #tpu.memory_space<hbm>> -> memref<1000000x16xf32, #tpu.memory_space<hbm>>
    tpu.wait_indirect_dma semaphore(%arg18 : memref<!tpu.dma_semaphore, #tpu.memory_space<semaphore_mem>>) src(%dma_wait3A_283 : memref<1000000x16xf32, #tpu.memory_space<hbm>>) dst(%dma_wait3A_277 : memref<128x16xf32, #tpu.memory_space<vmem>>)
    %dma_wait3A_284 = arith.constant 2 : i32
    %dma_wait3A_285 = arith.constant 256 : i32
    %dma_wait3A_286 = arith.constant 0 : i32
    %dma_wait3A_287 = tpu.memref_slice %arg16[%dma_wait3A_285, %dma_wait3A_286] : memref<512x16xf32, #tpu.memory_space<vmem>> -> memref<128x16xf32, #tpu.memory_space<vmem>>
    %dma_wait3A_288 = arith.constant 0 : i32
    %dma_wait3A_289 = tpu.memref_slice %arg12[%dma_wait3A_284, %dma_wait3A_288] : memref<4x128xi32, #tpu.memory_space<vmem>> -> memref<1x128xi32, #tpu.memory_space<vmem>>
    %dma_wait3A_290 = tpu.memref_squeeze %dma_wait3A_289 : memref<1x128xi32, #tpu.memory_space<vmem>> -> memref<128xi32, #tpu.memory_space<vmem>>
    %dma_wait3A_291 = arith.constant 0 : i32
    %dma_wait3A_292 = arith.constant 0 : i32
    %dma_wait3A_293 = tpu.memref_slice %arg4[%dma_wait3A_291, %dma_wait3A_292] : memref<1000000x16xf32, #tpu.memory_space<hbm>> -> memref<1000000x16xf32, #tpu.memory_space<hbm>>
    tpu.wait_indirect_dma semaphore(%arg18 : memref<!tpu.dma_semaphore, #tpu.memory_space<semaphore_mem>>) src(%dma_wait3A_293 : memref<1000000x16xf32, #tpu.memory_space<hbm>>) dst(%dma_wait3A_287 : memref<128x16xf32, #tpu.memory_space<vmem>>)
    %dma_wait3A_294 = arith.constant 2 : i32
    %dma_wait3A_295 = arith.constant 256 : i32
    %dma_wait3A_296 = arith.constant 0 : i32
    %dma_wait3A_297 = tpu.memref_slice %arg17[%dma_wait3A_295, %dma_wait3A_296] : memref<512x16xf32, #tpu.memory_space<vmem>> -> memref<128x16xf32, #tpu.memory_space<vmem>>
    %dma_wait3A_298 = arith.constant 0 : i32
    %dma_wait3A_299 = tpu.memref_slice %arg13[%dma_wait3A_294, %dma_wait3A_298] : memref<4x128xi32, #tpu.memory_space<vmem>> -> memref<1x128xi32, #tpu.memory_space<vmem>>
    %dma_wait3A_300 = tpu.memref_squeeze %dma_wait3A_299 : memref<1x128xi32, #tpu.memory_space<vmem>> -> memref<128xi32, #tpu.memory_space<vmem>>
    %dma_wait3A_301 = arith.constant 0 : i32
    %dma_wait3A_302 = arith.constant 0 : i32
    %dma_wait3A_303 = tpu.memref_slice %arg5[%dma_wait3A_301, %dma_wait3A_302] : memref<1000000x16xf32, #tpu.memory_space<hbm>> -> memref<1000000x16xf32, #tpu.memory_space<hbm>>
    tpu.wait_indirect_dma semaphore(%arg18 : memref<!tpu.dma_semaphore, #tpu.memory_space<semaphore_mem>>) src(%dma_wait3A_303 : memref<1000000x16xf32, #tpu.memory_space<hbm>>) dst(%dma_wait3A_297 : memref<128x16xf32, #tpu.memory_space<vmem>>)
    %dma_wait3A_304 = arith.constant 3 : i32
    %dma_wait3A_305 = arith.constant 384 : i32
    %dma_wait3A_306 = arith.constant 0 : i32
    %dma_wait3A_307 = tpu.memref_slice %arg14[%dma_wait3A_305, %dma_wait3A_306] : memref<512x16xf32, #tpu.memory_space<vmem>> -> memref<128x16xf32, #tpu.memory_space<vmem>>
    %dma_wait3A_308 = arith.constant 0 : i32
    %dma_wait3A_309 = tpu.memref_slice %arg12[%dma_wait3A_304, %dma_wait3A_308] : memref<4x128xi32, #tpu.memory_space<vmem>> -> memref<1x128xi32, #tpu.memory_space<vmem>>
    %dma_wait3A_310 = tpu.memref_squeeze %dma_wait3A_309 : memref<1x128xi32, #tpu.memory_space<vmem>> -> memref<128xi32, #tpu.memory_space<vmem>>
    %dma_wait3A_311 = arith.constant 0 : i32
    %dma_wait3A_312 = arith.constant 0 : i32
    %dma_wait3A_313 = tpu.memref_slice %arg2[%dma_wait3A_311, %dma_wait3A_312] : memref<1000000x16xf32, #tpu.memory_space<hbm>> -> memref<1000000x16xf32, #tpu.memory_space<hbm>>
    tpu.wait_indirect_dma semaphore(%arg18 : memref<!tpu.dma_semaphore, #tpu.memory_space<semaphore_mem>>) src(%dma_wait3A_313 : memref<1000000x16xf32, #tpu.memory_space<hbm>>) dst(%dma_wait3A_307 : memref<128x16xf32, #tpu.memory_space<vmem>>)
    %dma_wait3A_314 = arith.constant 3 : i32
    %dma_wait3A_315 = arith.constant 384 : i32
    %dma_wait3A_316 = arith.constant 0 : i32
    %dma_wait3A_317 = tpu.memref_slice %arg15[%dma_wait3A_315, %dma_wait3A_316] : memref<512x16xf32, #tpu.memory_space<vmem>> -> memref<128x16xf32, #tpu.memory_space<vmem>>
    %dma_wait3A_318 = arith.constant 0 : i32
    %dma_wait3A_319 = tpu.memref_slice %arg13[%dma_wait3A_314, %dma_wait3A_318] : memref<4x128xi32, #tpu.memory_space<vmem>> -> memref<1x128xi32, #tpu.memory_space<vmem>>
    %dma_wait3A_320 = tpu.memref_squeeze %dma_wait3A_319 : memref<1x128xi32, #tpu.memory_space<vmem>> -> memref<128xi32, #tpu.memory_space<vmem>>
    %dma_wait3A_321 = arith.constant 0 : i32
    %dma_wait3A_322 = arith.constant 0 : i32
    %dma_wait3A_323 = tpu.memref_slice %arg3[%dma_wait3A_321, %dma_wait3A_322] : memref<1000000x16xf32, #tpu.memory_space<hbm>> -> memref<1000000x16xf32, #tpu.memory_space<hbm>>
    tpu.wait_indirect_dma semaphore(%arg18 : memref<!tpu.dma_semaphore, #tpu.memory_space<semaphore_mem>>) src(%dma_wait3A_323 : memref<1000000x16xf32, #tpu.memory_space<hbm>>) dst(%dma_wait3A_317 : memref<128x16xf32, #tpu.memory_space<vmem>>)
    %dma_wait3A_324 = arith.constant 3 : i32
    %dma_wait3A_325 = arith.constant 384 : i32
    %dma_wait3A_326 = arith.constant 0 : i32
    %dma_wait3A_327 = tpu.memref_slice %arg16[%dma_wait3A_325, %dma_wait3A_326] : memref<512x16xf32, #tpu.memory_space<vmem>> -> memref<128x16xf32, #tpu.memory_space<vmem>>
    %dma_wait3A_328 = arith.constant 0 : i32
    %dma_wait3A_329 = tpu.memref_slice %arg12[%dma_wait3A_324, %dma_wait3A_328] : memref<4x128xi32, #tpu.memory_space<vmem>> -> memref<1x128xi32, #tpu.memory_space<vmem>>
    %dma_wait3A_330 = tpu.memref_squeeze %dma_wait3A_329 : memref<1x128xi32, #tpu.memory_space<vmem>> -> memref<128xi32, #tpu.memory_space<vmem>>
    %dma_wait3A_331 = arith.constant 0 : i32
    %dma_wait3A_332 = arith.constant 0 : i32
    %dma_wait3A_333 = tpu.memref_slice %arg4[%dma_wait3A_331, %dma_wait3A_332] : memref<1000000x16xf32, #tpu.memory_space<hbm>> -> memref<1000000x16xf32, #tpu.memory_space<hbm>>
    tpu.wait_indirect_dma semaphore(%arg18 : memref<!tpu.dma_semaphore, #tpu.memory_space<semaphore_mem>>) src(%dma_wait3A_333 : memref<1000000x16xf32, #tpu.memory_space<hbm>>) dst(%dma_wait3A_327 : memref<128x16xf32, #tpu.memory_space<vmem>>)
    %dma_wait3A_334 = arith.constant 3 : i32
    %dma_wait3A_335 = arith.constant 384 : i32
    %dma_wait3A_336 = arith.constant 0 : i32
    %dma_wait3A_337 = tpu.memref_slice %arg17[%dma_wait3A_335, %dma_wait3A_336] : memref<512x16xf32, #tpu.memory_space<vmem>> -> memref<128x16xf32, #tpu.memory_space<vmem>>
    %dma_wait3A_338 = arith.constant 0 : i32
    %dma_wait3A_339 = tpu.memref_slice %arg13[%dma_wait3A_334, %dma_wait3A_338] : memref<4x128xi32, #tpu.memory_space<vmem>> -> memref<1x128xi32, #tpu.memory_space<vmem>>
    %dma_wait3A_340 = tpu.memref_squeeze %dma_wait3A_339 : memref<1x128xi32, #tpu.memory_space<vmem>> -> memref<128xi32, #tpu.memory_space<vmem>>
    %dma_wait3A_341 = arith.constant 0 : i32
    %dma_wait3A_342 = arith.constant 0 : i32
    %dma_wait3A_343 = tpu.memref_slice %arg5[%dma_wait3A_341, %dma_wait3A_342] : memref<1000000x16xf32, #tpu.memory_space<hbm>> -> memref<1000000x16xf32, #tpu.memory_space<hbm>>
    tpu.wait_indirect_dma semaphore(%arg18 : memref<!tpu.dma_semaphore, #tpu.memory_space<semaphore_mem>>) src(%dma_wait3A_343 : memref<1000000x16xf32, #tpu.memory_space<hbm>>) dst(%dma_wait3A_337 : memref<128x16xf32, #tpu.memory_space<vmem>>)
    "tpu.region"() ({
      %run_scoped3A_344 = tpu.sem_alloc : memref<!tpu.dma_semaphore, #tpu.memory_space<semaphore_mem>>
      %dma_start3A_345 = arith.constant 0 : i32
      %dma_start3A_346 = tpu.memref_slice %arg8[%mul3A_2, %dma_start3A_345] : memref<16384x16xf32, #tpu.memory_space<hbm>> -> memref<512x16xf32, #tpu.memory_space<hbm>>
      %dma_start3A_347 = arith.constant 0 : i32
      %dma_start3A_348 = tpu.memref_slice %arg8[%mul3A_2, %dma_start3A_347] : memref<16384x16xf32, #tpu.memory_space<hbm>> -> memref<512x16xf32, #tpu.memory_space<hbm>>
      tpu.enqueue_dma source(%arg14 : memref<512x16xf32, #tpu.memory_space<vmem>>) target(%dma_start3A_348 : memref<512x16xf32, #tpu.memory_space<hbm>>) target_semaphore(%run_scoped3A_344 : memref<!tpu.dma_semaphore, #tpu.memory_space<semaphore_mem>>)
      %dma_wait3A_349 = arith.constant 0 : i32
      %dma_wait3A_350 = tpu.memref_slice %arg8[%mul3A_2, %dma_wait3A_349] : memref<16384x16xf32, #tpu.memory_space<hbm>> -> memref<512x16xf32, #tpu.memory_space<hbm>>
      %dma_wait3A_351 = arith.constant 0 : i32
      %dma_wait3A_352 = tpu.memref_slice %arg8[%mul3A_2, %dma_wait3A_351] : memref<16384x16xf32, #tpu.memory_space<hbm>> -> memref<512x16xf32, #tpu.memory_space<hbm>>
      tpu.wait_dma2 semaphore(%run_scoped3A_344 : memref<!tpu.dma_semaphore, #tpu.memory_space<semaphore_mem>>) src(%arg14 : memref<512x16xf32, #tpu.memory_space<vmem>>) dst(%dma_wait3A_352 : memref<512x16xf32, #tpu.memory_space<hbm>>)
      tpu.yield
    }) : () -> ()
    "tpu.region"() ({
      %run_scoped3A_344 = tpu.sem_alloc : memref<!tpu.dma_semaphore, #tpu.memory_space<semaphore_mem>>
      %dma_start3A_345 = arith.constant 0 : i32
      %dma_start3A_346 = tpu.memref_slice %arg9[%mul3A_2, %dma_start3A_345] : memref<16384x16xf32, #tpu.memory_space<hbm>> -> memref<512x16xf32, #tpu.memory_space<hbm>>
      %dma_start3A_347 = arith.constant 0 : i32
      %dma_start3A_348 = tpu.memref_slice %arg9[%mul3A_2, %dma_start3A_347] : memref<16384x16xf32, #tpu.memory_space<hbm>> -> memref<512x16xf32, #tpu.memory_space<hbm>>
      tpu.enqueue_dma source(%arg15 : memref<512x16xf32, #tpu.memory_space<vmem>>) target(%dma_start3A_348 : memref<512x16xf32, #tpu.memory_space<hbm>>) target_semaphore(%run_scoped3A_344 : memref<!tpu.dma_semaphore, #tpu.memory_space<semaphore_mem>>)
      %dma_wait3A_349 = arith.constant 0 : i32
      %dma_wait3A_350 = tpu.memref_slice %arg9[%mul3A_2, %dma_wait3A_349] : memref<16384x16xf32, #tpu.memory_space<hbm>> -> memref<512x16xf32, #tpu.memory_space<hbm>>
      %dma_wait3A_351 = arith.constant 0 : i32
      %dma_wait3A_352 = tpu.memref_slice %arg9[%mul3A_2, %dma_wait3A_351] : memref<16384x16xf32, #tpu.memory_space<hbm>> -> memref<512x16xf32, #tpu.memory_space<hbm>>
      tpu.wait_dma2 semaphore(%run_scoped3A_344 : memref<!tpu.dma_semaphore, #tpu.memory_space<semaphore_mem>>) src(%arg15 : memref<512x16xf32, #tpu.memory_space<vmem>>) dst(%dma_wait3A_352 : memref<512x16xf32, #tpu.memory_space<hbm>>)
      tpu.yield
    }) : () -> ()
    "tpu.region"() ({
      %run_scoped3A_344 = tpu.sem_alloc : memref<!tpu.dma_semaphore, #tpu.memory_space<semaphore_mem>>
      %dma_start3A_345 = arith.constant 0 : i32
      %dma_start3A_346 = tpu.memref_slice %arg10[%mul3A_2, %dma_start3A_345] : memref<16384x16xf32, #tpu.memory_space<hbm>> -> memref<512x16xf32, #tpu.memory_space<hbm>>
      %dma_start3A_347 = arith.constant 0 : i32
      %dma_start3A_348 = tpu.memref_slice %arg10[%mul3A_2, %dma_start3A_347] : memref<16384x16xf32, #tpu.memory_space<hbm>> -> memref<512x16xf32, #tpu.memory_space<hbm>>
      tpu.enqueue_dma source(%arg16 : memref<512x16xf32, #tpu.memory_space<vmem>>) target(%dma_start3A_348 : memref<512x16xf32, #tpu.memory_space<hbm>>) target_semaphore(%run_scoped3A_344 : memref<!tpu.dma_semaphore, #tpu.memory_space<semaphore_mem>>)
      %dma_wait3A_349 = arith.constant 0 : i32
      %dma_wait3A_350 = tpu.memref_slice %arg10[%mul3A_2, %dma_wait3A_349] : memref<16384x16xf32, #tpu.memory_space<hbm>> -> memref<512x16xf32, #tpu.memory_space<hbm>>
      %dma_wait3A_351 = arith.constant 0 : i32
      %dma_wait3A_352 = tpu.memref_slice %arg10[%mul3A_2, %dma_wait3A_351] : memref<16384x16xf32, #tpu.memory_space<hbm>> -> memref<512x16xf32, #tpu.memory_space<hbm>>
      tpu.wait_dma2 semaphore(%run_scoped3A_344 : memref<!tpu.dma_semaphore, #tpu.memory_space<semaphore_mem>>) src(%arg16 : memref<512x16xf32, #tpu.memory_space<vmem>>) dst(%dma_wait3A_352 : memref<512x16xf32, #tpu.memory_space<hbm>>)
      tpu.yield
    }) : () -> ()
    "tpu.region"() ({
      %run_scoped3A_344 = tpu.sem_alloc : memref<!tpu.dma_semaphore, #tpu.memory_space<semaphore_mem>>
      %dma_start3A_345 = arith.constant 0 : i32
      %dma_start3A_346 = tpu.memref_slice %arg11[%mul3A_2, %dma_start3A_345] : memref<16384x16xf32, #tpu.memory_space<hbm>> -> memref<512x16xf32, #tpu.memory_space<hbm>>
      %dma_start3A_347 = arith.constant 0 : i32
      %dma_start3A_348 = tpu.memref_slice %arg11[%mul3A_2, %dma_start3A_347] : memref<16384x16xf32, #tpu.memory_space<hbm>> -> memref<512x16xf32, #tpu.memory_space<hbm>>
      tpu.enqueue_dma source(%arg17 : memref<512x16xf32, #tpu.memory_space<vmem>>) target(%dma_start3A_348 : memref<512x16xf32, #tpu.memory_space<hbm>>) target_semaphore(%run_scoped3A_344 : memref<!tpu.dma_semaphore, #tpu.memory_space<semaphore_mem>>)
      %dma_wait3A_349 = arith.constant 0 : i32
      %dma_wait3A_350 = tpu.memref_slice %arg11[%mul3A_2, %dma_wait3A_349] : memref<16384x16xf32, #tpu.memory_space<hbm>> -> memref<512x16xf32, #tpu.memory_space<hbm>>
      %dma_wait3A_351 = arith.constant 0 : i32
      %dma_wait3A_352 = tpu.memref_slice %arg11[%mul3A_2, %dma_wait3A_351] : memref<16384x16xf32, #tpu.memory_space<hbm>> -> memref<512x16xf32, #tpu.memory_space<hbm>>
      tpu.wait_dma2 semaphore(%run_scoped3A_344 : memref<!tpu.dma_semaphore, #tpu.memory_space<semaphore_mem>>) src(%arg17 : memref<512x16xf32, #tpu.memory_space<vmem>>) dst(%dma_wait3A_352 : memref<512x16xf32, #tpu.memory_space<hbm>>)
      tpu.yield
    }) : () -> ()
    return
  }
}

module attributes {stable_mosaic.version = 14 : i64} {
  func.func @_tc_body(%arg0: i32, %arg1: memref<1024x16xf32, #tpu.memory_space<vmem>>, %arg2: memref<1024x16xf32, #tpu.memory_space<vmem>>, %arg3: memref<1024x16xf32, #tpu.memory_space<vmem>>, %arg4: memref<1024x16xf32, #tpu.memory_space<vmem>>, %arg5: memref<16x64xf32, #tpu.memory_space<vmem>>, %arg6: memref<16x64xf32, #tpu.memory_space<vmem>>, %arg7: memref<1x64xf32, #tpu.memory_space<vmem>>, %arg8: memref<64x32xf32, #tpu.memory_space<vmem>>, %arg9: memref<1x32xf32, #tpu.memory_space<vmem>>, %arg10: memref<32x16xf32, #tpu.memory_space<vmem>>, %arg11: memref<1x16xf32, #tpu.memory_space<vmem>>, %arg12: memref<16x1xf32, #tpu.memory_space<vmem>>, %arg13: memref<16x1xf32, #tpu.memory_space<vmem>>, %arg14: memref<1x1xf32, #tpu.memory_space<vmem>>, %arg15: memref<1024x1xf32, #tpu.memory_space<vmem>>) attributes {dimension_semantics = [#tpu.dimension_semantics<arbitrary>], iteration_bounds = array<i64: 16>, scalar_prefetch = 0 : i64, scratch_operands = 0 : i64, tpu.core_type = #tpu.core_type<tc>, window_params = [{transform_indices = @transform_0, window_bounds = array<i64: 1024, 16>}, {transform_indices = @transform_1, window_bounds = array<i64: 1024, 16>}, {transform_indices = @transform_2, window_bounds = array<i64: 1024, 16>}, {transform_indices = @transform_3, window_bounds = array<i64: 1024, 16>}, {pipeline_mode = #tpu.pipeline_mode<synchronous>, transform_indices = @transform_4, window_bounds = array<i64: 16, 64>}, {pipeline_mode = #tpu.pipeline_mode<synchronous>, transform_indices = @transform_5, window_bounds = array<i64: 16, 64>}, {pipeline_mode = #tpu.pipeline_mode<synchronous>, transform_indices = @transform_6, window_bounds = array<i64: 1, 64>}, {pipeline_mode = #tpu.pipeline_mode<synchronous>, transform_indices = @transform_7, window_bounds = array<i64: 64, 32>}, {pipeline_mode = #tpu.pipeline_mode<synchronous>, transform_indices = @transform_8, window_bounds = array<i64: 1, 32>}, {pipeline_mode = #tpu.pipeline_mode<synchronous>, transform_indices = @transform_9, window_bounds = array<i64: 32, 16>}, {pipeline_mode = #tpu.pipeline_mode<synchronous>, transform_indices = @transform_10, window_bounds = array<i64: 1, 16>}, {pipeline_mode = #tpu.pipeline_mode<synchronous>, transform_indices = @transform_11, window_bounds = array<i64: 16, 1>}, {pipeline_mode = #tpu.pipeline_mode<synchronous>, transform_indices = @transform_12, window_bounds = array<i64: 16, 1>}, {pipeline_mode = #tpu.pipeline_mode<synchronous>, transform_indices = @transform_13, window_bounds = array<i64: 1, 1>}, {transform_indices = @transform_14, window_bounds = array<i64: 1024, 1>}]} {
    %get3A = arith.constant 0 : index
    %get3A_0 = arith.constant 0 : index
    %get3A_1 = vector.load %arg1[%get3A, %get3A_0] : memref<1024x16xf32, #tpu.memory_space<vmem>>, vector<1024x16xf32>
    %get3A_2 = arith.constant 0 : index
    %get3A_3 = arith.constant 0 : index
    %get3A_4 = vector.load %arg2[%get3A_2, %get3A_3] : memref<1024x16xf32, #tpu.memory_space<vmem>>, vector<1024x16xf32>
    %mul3A = arith.mulf %get3A_1, %get3A_4 : vector<1024x16xf32>
    %get3A_5 = arith.constant 0 : index
    %get3A_6 = arith.constant 0 : index
    %get3A_7 = vector.load %arg3[%get3A_5, %get3A_6] : memref<1024x16xf32, #tpu.memory_space<vmem>>, vector<1024x16xf32>
    %get3A_8 = arith.constant 0 : index
    %get3A_9 = arith.constant 0 : index
    %get3A_10 = vector.load %arg5[%get3A_8, %get3A_9] : memref<16x64xf32, #tpu.memory_space<vmem>>, vector<16x64xf32>
    %dot_general3A = arith.constant dense<0.000000e+00> : vector<1024x64xf32>
    %dot_general3A_11 = tpu.matmul %get3A_7, %get3A_10, %dot_general3A {dimension_numbers = #tpu.dot_dimension_numbers<[1], [0], [0], [1], [0, 0, 1, 1], [], []>, transpose_lhs_hint = false} : vector<1024x16xf32>, vector<16x64xf32>, vector<1024x64xf32> -> vector<1024x64xf32>
    %get3A_12 = arith.constant 0 : index
    %get3A_13 = arith.constant 0 : index
    %get3A_14 = vector.load %arg4[%get3A_12, %get3A_13] : memref<1024x16xf32, #tpu.memory_space<vmem>>, vector<1024x16xf32>
    %get3A_15 = arith.constant 0 : index
    %get3A_16 = arith.constant 0 : index
    %get3A_17 = vector.load %arg6[%get3A_15, %get3A_16] : memref<16x64xf32, #tpu.memory_space<vmem>>, vector<16x64xf32>
    %dot_general3A_18 = arith.constant dense<0.000000e+00> : vector<1024x64xf32>
    %dot_general3A_19 = tpu.matmul %get3A_14, %get3A_17, %dot_general3A_18 {dimension_numbers = #tpu.dot_dimension_numbers<[1], [0], [0], [1], [0, 0, 1, 1], [], []>, transpose_lhs_hint = false} : vector<1024x16xf32>, vector<16x64xf32>, vector<1024x64xf32> -> vector<1024x64xf32>
    %add3A = arith.addf %dot_general3A_11, %dot_general3A_19 : vector<1024x64xf32>
    %get3A_20 = arith.constant 0 : index
    %get3A_21 = arith.constant 0 : index
    %get3A_22 = vector.load %arg7[%get3A_20, %get3A_21] : memref<1x64xf32, #tpu.memory_space<vmem>>, vector<1x64xf32>
    %add3A_23 = vector.broadcast %get3A_22 : vector<1x64xf32> to vector<1024x64xf32>
    %add3A_24 = arith.addf %add3A, %add3A_23 : vector<1024x64xf32>
    %max3A = arith.constant 0.000000e+00 : f32
    %max3A_25 = vector.broadcast %max3A : f32 to vector<1024x64xf32>
    %max3A_26 = arith.maximumf %add3A_24, %max3A_25 : vector<1024x64xf32>
    %get3A_27 = arith.constant 0 : index
    %get3A_28 = arith.constant 0 : index
    %get3A_29 = vector.load %arg8[%get3A_27, %get3A_28] : memref<64x32xf32, #tpu.memory_space<vmem>>, vector<64x32xf32>
    %dot_general3A_30 = arith.constant dense<0.000000e+00> : vector<1024x32xf32>
    %dot_general3A_31 = tpu.matmul %max3A_26, %get3A_29, %dot_general3A_30 {dimension_numbers = #tpu.dot_dimension_numbers<[1], [0], [0], [1], [0, 0, 1, 1], [], []>, transpose_lhs_hint = false} : vector<1024x64xf32>, vector<64x32xf32>, vector<1024x32xf32> -> vector<1024x32xf32>
    %get3A_32 = arith.constant 0 : index
    %get3A_33 = arith.constant 0 : index
    %get3A_34 = vector.load %arg9[%get3A_32, %get3A_33] : memref<1x32xf32, #tpu.memory_space<vmem>>, vector<1x32xf32>
    %add3A_35 = vector.broadcast %get3A_34 : vector<1x32xf32> to vector<1024x32xf32>
    %add3A_36 = arith.addf %dot_general3A_31, %add3A_35 : vector<1024x32xf32>
    %max3A_37 = arith.constant 0.000000e+00 : f32
    %max3A_38 = vector.broadcast %max3A_37 : f32 to vector<1024x32xf32>
    %max3A_39 = arith.maximumf %add3A_36, %max3A_38 : vector<1024x32xf32>
    %get3A_40 = arith.constant 0 : index
    %get3A_41 = arith.constant 0 : index
    %get3A_42 = vector.load %arg10[%get3A_40, %get3A_41] : memref<32x16xf32, #tpu.memory_space<vmem>>, vector<32x16xf32>
    %dot_general3A_43 = arith.constant dense<0.000000e+00> : vector<1024x16xf32>
    %dot_general3A_44 = tpu.matmul %max3A_39, %get3A_42, %dot_general3A_43 {dimension_numbers = #tpu.dot_dimension_numbers<[1], [0], [0], [1], [0, 0, 1, 1], [], []>, transpose_lhs_hint = false} : vector<1024x32xf32>, vector<32x16xf32>, vector<1024x16xf32> -> vector<1024x16xf32>
    %get3A_45 = arith.constant 0 : index
    %get3A_46 = arith.constant 0 : index
    %get3A_47 = vector.load %arg11[%get3A_45, %get3A_46] : memref<1x16xf32, #tpu.memory_space<vmem>>, vector<1x16xf32>
    %add3A_48 = vector.broadcast %get3A_47 : vector<1x16xf32> to vector<1024x16xf32>
    %add3A_49 = arith.addf %dot_general3A_44, %add3A_48 : vector<1024x16xf32>
    %max3A_50 = arith.constant 0.000000e+00 : f32
    %max3A_51 = vector.broadcast %max3A_50 : f32 to vector<1024x16xf32>
    %max3A_52 = arith.maximumf %add3A_49, %max3A_51 : vector<1024x16xf32>
    %get3A_53 = arith.constant 0 : index
    %get3A_54 = arith.constant 0 : index
    %get3A_55 = vector.load %arg12[%get3A_53, %get3A_54] : memref<16x1xf32, #tpu.memory_space<vmem>>, vector<16x1xf32>
    %dot_general3A_56 = arith.constant dense<0.000000e+00> : vector<1024x1xf32>
    %dot_general3A_57 = tpu.matmul %mul3A, %get3A_55, %dot_general3A_56 {dimension_numbers = #tpu.dot_dimension_numbers<[1], [0], [0], [1], [0, 0, 1, 1], [], []>, transpose_lhs_hint = false} : vector<1024x16xf32>, vector<16x1xf32>, vector<1024x1xf32> -> vector<1024x1xf32>
    %get3A_58 = arith.constant 0 : index
    %get3A_59 = arith.constant 0 : index
    %get3A_60 = vector.load %arg13[%get3A_58, %get3A_59] : memref<16x1xf32, #tpu.memory_space<vmem>>, vector<16x1xf32>
    %dot_general3A_61 = arith.constant dense<0.000000e+00> : vector<1024x1xf32>
    %dot_general3A_62 = tpu.matmul %max3A_52, %get3A_60, %dot_general3A_61 {dimension_numbers = #tpu.dot_dimension_numbers<[1], [0], [0], [1], [0, 0, 1, 1], [], []>, transpose_lhs_hint = false} : vector<1024x16xf32>, vector<16x1xf32>, vector<1024x1xf32> -> vector<1024x1xf32>
    %add3A_63 = arith.addf %dot_general3A_57, %dot_general3A_62 : vector<1024x1xf32>
    %get3A_64 = arith.constant 0 : index
    %get3A_65 = arith.constant 0 : index
    %get3A_66 = vector.load %arg14[%get3A_64, %get3A_65] : memref<1x1xf32, #tpu.memory_space<vmem>>, vector<1x1xf32>
    %add3A_67 = vector.broadcast %get3A_66 : vector<1x1xf32> to vector<1024x1xf32>
    %add3A_68 = arith.addf %add3A_63, %add3A_67 : vector<1024x1xf32>
    %swap3A = arith.constant 0 : index
    %swap3A_69 = arith.constant 0 : index
    %swap3A_70 = vector.load %arg15[%swap3A, %swap3A_69] : memref<1024x1xf32, #tpu.memory_space<vmem>>, vector<1024x1xf32>
    tpu.vector_store %arg15[%swap3A, %swap3A_69], %add3A_68 {strides = array<i32>} : memref<1024x1xf32, #tpu.memory_space<vmem>>, vector<1024x1xf32>,
    return
  }
  func.func @transform_0(%arg0: i32) -> (i32, i32) {
    %c0_i32 = arith.constant 0 : i32
    %c0_i32_0 = arith.constant 0 : i32
    return %arg0, %c0_i32 : i32, i32
  }
  func.func @transform_1(%arg0: i32) -> (i32, i32) {
    %c0_i32 = arith.constant 0 : i32
    %c0_i32_0 = arith.constant 0 : i32
    return %arg0, %c0_i32 : i32, i32
  }
  func.func @transform_2(%arg0: i32) -> (i32, i32) {
    %c0_i32 = arith.constant 0 : i32
    %c0_i32_0 = arith.constant 0 : i32
    return %arg0, %c0_i32 : i32, i32
  }
  func.func @transform_3(%arg0: i32) -> (i32, i32) {
    %c0_i32 = arith.constant 0 : i32
    %c0_i32_0 = arith.constant 0 : i32
    return %arg0, %c0_i32 : i32, i32
  }
  func.func @transform_4(%arg0: i32) -> (i32, i32) {
    %c0_i32 = arith.constant 0 : i32
    %c0_i32_0 = arith.constant 0 : i32
    %c0_i32_1 = arith.constant 0 : i32
    return %c0_i32, %c0_i32_0 : i32, i32
  }
  func.func @transform_5(%arg0: i32) -> (i32, i32) {
    %c0_i32 = arith.constant 0 : i32
    %c0_i32_0 = arith.constant 0 : i32
    %c0_i32_1 = arith.constant 0 : i32
    return %c0_i32, %c0_i32_0 : i32, i32
  }
  func.func @transform_6(%arg0: i32) -> (i32, i32) {
    %c0_i32 = arith.constant 0 : i32
    %c0_i32_0 = arith.constant 0 : i32
    %c0_i32_1 = arith.constant 0 : i32
    return %c0_i32, %c0_i32_0 : i32, i32
  }
  func.func @transform_7(%arg0: i32) -> (i32, i32) {
    %c0_i32 = arith.constant 0 : i32
    %c0_i32_0 = arith.constant 0 : i32
    %c0_i32_1 = arith.constant 0 : i32
    return %c0_i32, %c0_i32_0 : i32, i32
  }
  func.func @transform_8(%arg0: i32) -> (i32, i32) {
    %c0_i32 = arith.constant 0 : i32
    %c0_i32_0 = arith.constant 0 : i32
    %c0_i32_1 = arith.constant 0 : i32
    return %c0_i32, %c0_i32_0 : i32, i32
  }
  func.func @transform_9(%arg0: i32) -> (i32, i32) {
    %c0_i32 = arith.constant 0 : i32
    %c0_i32_0 = arith.constant 0 : i32
    %c0_i32_1 = arith.constant 0 : i32
    return %c0_i32, %c0_i32_0 : i32, i32
  }
  func.func @transform_10(%arg0: i32) -> (i32, i32) {
    %c0_i32 = arith.constant 0 : i32
    %c0_i32_0 = arith.constant 0 : i32
    %c0_i32_1 = arith.constant 0 : i32
    return %c0_i32, %c0_i32_0 : i32, i32
  }
  func.func @transform_11(%arg0: i32) -> (i32, i32) {
    %c0_i32 = arith.constant 0 : i32
    %c0_i32_0 = arith.constant 0 : i32
    %c0_i32_1 = arith.constant 0 : i32
    return %c0_i32, %c0_i32_0 : i32, i32
  }
  func.func @transform_12(%arg0: i32) -> (i32, i32) {
    %c0_i32 = arith.constant 0 : i32
    %c0_i32_0 = arith.constant 0 : i32
    %c0_i32_1 = arith.constant 0 : i32
    return %c0_i32, %c0_i32_0 : i32, i32
  }
  func.func @transform_13(%arg0: i32) -> (i32, i32) {
    %c0_i32 = arith.constant 0 : i32
    %c0_i32_0 = arith.constant 0 : i32
    %c0_i32_1 = arith.constant 0 : i32
    return %c0_i32, %c0_i32_0 : i32, i32
  }
  func.func @transform_14(%arg0: i32) -> (i32, i32) {
    %c0_i32 = arith.constant 0 : i32
    %c0_i32_0 = arith.constant 0 : i32
    return %arg0, %c0_i32 : i32, i32
  }
}

</mosaic_0001>

<sc_bundles>
// kernel: kernel.4.cloned.1.call-start
scs
__scs_entry_jumppad:
0x0: {  	(pc) =	sbr.rel $0x88, $3  }
0x1: {  	(tag) =	ssettag $0x0;
	lr =	simm.s32 $0x1  }
0x2: {  	[smem:$0x3F93] =	sst lr;
	_ =	strace $0xD0000000  }
0x3: {  	_ = 	snop  }
0x4: {  	_ = 	snop  }
0x5: {  	_ = 	snop  }
0x6: {  	_ = 	snop  }
0x7: {  	_ = 	snop  }
__scs_overlays_trampoline_lowered:
0x8: {  	[smem:$0x3FA2] =	sst s0  }
0x9: {  	[smem:$0x3FA3] =	sst s1  }
0xa: {  	[smem:$0x3FA4] =	sst s2  }
0xb: {  	[smem:$0x3FA5] =	sst s3  }
0xc: {  	[smem:$0x3FA6] =	sst s4  }
0xd: {  	[smem:$0x3FA7] =	sst s5  }
0xe: {  	[smem:$0x3FA8] =	sst s6  }
0xf: {  	[smem:$0x3FA9] =	sst s7  }
0x10: {  	[smem:$0x3FAA] =	sst s8  }
0x11: {  	[smem:$0x3FAB] =	sst s9;
	s0 =	simm.s32 @!p0 $0x0  }
0x12: {  	s1 =	sld [smem:$0x3F91];
	s0 =	simm.s32 @p0 $0x1  }
0x13: {  	[smem:$0x3FAC] =	sst s0;
	s0 =	simm.s32 @!p1 $0x0  }
0x14: {  	s2 =	sld [smem:$0x3F90];
	s0 =	simm.s32 @p1 $0x1  }
0x15: {  	[smem:$0x3FAD] =	sst s0;
	s0 =	simm.s32 @!p2 $0x0  }
0x16: {  	s3 =	sld [smem:$0x3FDB];
	s0 =	simm.s32 @p2 $0x1  }
0x17: {  	s4 =	simm.s32 $0x1BF5;
	[smem:$0x3FAF] =	sst s0  }
0x18: {  	s0 =	sld [smem:$0x3F92];
	_ =	swait.ge [sflag:s4], $0x0  }
0x19: {  	s7 =	sld [smem:$0x3F93]  }
0x1a: {  	s8 =	sadd.s32 $0xFFFFE003, lr  }
0x1b: {  	s9 =	sadd.s32 $0xFFFFFEF7, lr;
	s5 =	simm.s32 $0xFFFFFFFF;
	p2 =	slt.u32 s8, $0xFFFFF086  }
0x1c: {  	p1 =	slt.u32 s9, $0xF7A;
	s5 =	simm.s32 @!p2 $0x0  }
0x1d: {  	s5 =	simm.s32 @p1 $0x1;
	p0 =	seq.s32 s7, s2  }
0x1e: {  	s7 =	smul.u32 @!p0 $0xF7A, s2;
	p2 =	seq.s32 @!p0 s5, $0x0  }
0x1f: {  	s9 =	smul.u32 $0xF7A, s1;
	s8 =	simm.s32 @!p0 $0x1BF5;
	p2 =	por !p2, p0  }
0x20: {  	[sflag:s8] =	ssyncset.s32 @!p0 $0xFFFFF086;
	s6 =	sadd.s32 @!p0 s3, s7;
	s7 =	simm.s32 @!p0 $0x108  }
0x21: {  	s3 =	sadd.s32 s3, s9;
	s6 =	sadd.s32 @!p0 $0x88, s6;
	s7 =	simm.s32 @p2 $0x1082  }
0x22: {  	[simem:s7], [sflag:s8] =	dma.local @!p0 [hbm:s6], $0xF7A  }
0x23: {  	s9 =	sor.u32 $0xD0000000, s2;
	s6 =	simm.s32 $0x108;
	_ =	swait.ge @!p0 [sflag:s8], $0x0  }
0x24: {  	s3 =	sadd.s32 $0x88, s3;
	s6 =	simm.s32 @!p1 $0x1082;
	[sflag:s4] =	ssyncset.s32 $0xFFFFF086  }
0x25: {  	[simem:s6], [sflag:s4] =	dma.local [hbm:s3], $0xF7A  }
0x26: {  	[smem:$0x3F93] =	sst s1;
	(tag) =	ssettag s2;
	_ =	strace s9  }
0x27: {  	s1 =	sld [smem:$0x3FA3]  }
0x28: {  	s2 =	sld [smem:$0x3FA4]  }
0x29: {  	s4 =	sld [smem:$0x3FA6]  }
0x2a: {  	p0 =	seq.s32 s5, $0x0;
	s5 =	sld [smem:$0x3FA7]  }
0x2b: {  	s6 =	sld [smem:$0x3FA8]  }
0x2c: {  	s7 =	sld [smem:$0x3FA9]  }
0x2d: {  	s3 =	simm.s32 $0x108;
	s8 =	sld [smem:$0x3FAA]  }
0x2e: {  	s3 =	simm.s32 @!p0 $0x1082;
	s9 =	sld [smem:$0x3FAB]  }
0x2f: {  	lr =	sadd.s32 s0, s3;
	s0 =	sld [smem:$0x3FA2]  }
0x30: {  	s3 =	sld [smem:$0x3FA5]  }
0x31: {  	[smem:$0x3FAE] =	sst s10  }
0x32: {  	s10 =	sld [smem:$0x3FAC];
	_ =	sdelay $0x3  }
0x33: {  	p0 =	seq.s32 s10, $0x1;
	s10 =	sld [smem:$0x3FAE];
	_ =	sdelay $0x3  }
0x34: {  	[smem:$0x3FAE] =	sst s10  }
0x35: {  	s10 =	sld [smem:$0x3FAD];
	_ =	sdelay $0x3  }
0x36: {  	p1 =	seq.s32 s10, $0x1;
	s10 =	sld [smem:$0x3FAE];
	_ =	sdelay $0x3  }
0x37: {  	[smem:$0x3FAE] =	sst s10  }
0x38: {  	s10 =	sld [smem:$0x3FAF]  }
0x39: {  	_ = 	snop;
	(pc) =	sbr.ind lr, $3  }
0x3a: {  	_ = 	snop  }
0x3b: {  	_ = 	snop  }
0x3c: {  	p2 =	seq.s32 s10, $0x1;
	s10 =	sld [smem:$0x3FAE]  }
0x3d: {  	_ =	shalt  }
0x3e: {  	_ =	shalt  }
0x3f: {  	_ =	shalt  }
0x40: {  	_ =	shalt  }
0x41: {  	_ =	shalt  }
0x42: {  	_ =	shalt  }
0x43: {  	_ =	shalt  }
0x44: {  	_ =	shalt  }
0x45: {  	_ =	shalt  }
0x46: {  	_ =	shalt  }
0x47: {  	_ =	shalt  }
0x48: {  	_ =	shalt  }
0x49: {  	_ =	shalt  }
0x4a: {  	_ =	shalt  }
0x4b: {  	_ =	shalt  }
0x4c: {  	_ =	shalt  }
0x4d: {  	_ =	shalt  }
0x4e: {  	_ =	shalt  }
0x4f: {  	_ =	shalt  }
0x50: {  	_ =	shalt  }
0x51: {  	_ =	shalt  }
0x52: {  	_ =	shalt  }
0x53: {  	_ =	shalt  }
0x54: {  	_ =	shalt  }
0x55: {  	_ =	shalt  }
0x56: {  	_ =	shalt  }
0x57: {  	_ =	shalt  }
0x58: {  	_ =	shalt  }
0x59: {  	_ =	shalt  }
0x5a: {  	_ =	shalt  }
0x5b: {  	_ =	shalt  }
0x5c: {  	_ =	shalt  }
0x5d: {  	_ =	shalt  }
0x5e: {  	_ =	shalt  }
0x5f: {  	_ =	shalt  }
0x60: {  	_ =	shalt  }
0x61: {  	_ =	shalt  }
0x62: {  	_ =	shalt  }
0x63: {  	_ =	shalt  }
0x64: {  	_ =	shalt  }
0x65: {  	_ =	shalt  }
0x66: {  	_ =	shalt  }
0x67: {  	_ =	shalt  }
0x68: {  	_ =	shalt  }
0x69: {  	_ =	shalt  }
0x6a: {  	_ =	shalt  }
0x6b: {  	_ =	shalt  }
0x6c: {  	_ =	shalt  }
0x6d: {  	_ =	shalt  }
0x6e: {  	_ =	shalt  }
0x6f: {  	_ =	shalt  }
0x70: {  	_ =	shalt  }
0x71: {  	_ =	shalt  }
0x72: {  	_ =	shalt  }
0x73: {  	_ =	shalt  }
0x74: {  	_ =	shalt  }
0x75: {  	_ =	shalt  }
0x76: {  	_ =	shalt  }
0x77: {  	_ =	shalt  }
0x78: {  	_ =	shalt  }
0x79: {  	_ =	shalt  }
0x7a: {  	_ =	shalt  }
0x7b: {  	_ =	shalt  }
0x7c: {  	_ =	shalt  }
0x7d: {  	_ =	shalt  }
0x7e: {  	_ =	shalt  }
0x7f: {  	_ =	shalt  }
0x80: {  	_ =	shalt  }
0x81: {  	_ =	shalt  }
0x82: {  	_ =	shalt  }
0x83: {  	_ =	shalt  }
0x84: {  	_ =	shalt  }
0x85: {  	_ =	shalt  }
0x86: {  	_ =	shalt  }
0x87: {  	_ =	shalt  }
.Lfunc_end0:
.L_simem_size_0:
called_computation_lowered:
.L_overlay_start_0:
0x88: {  	s2 =	sld [smem:$0x3FD9]  }
0x89: {  	s3 =	sld [smem:$0x3FFE];
	_ =	sdelay $0x1  }
0x8a: {  	s1 =	srdreg.scid  }
0x8b: {  	s0 =	sand.u32 $0x1, s1  }
0x8c: {  	s17 =	sshll.u32 s0, $0xA;
	s2 =	sadd.s32 s3, s2  }
0x8d: {  	s2 =	sadd.s32 s2, s17  }
0x8e: {  	[smem:$0x3FBA] =	sst s2  }
0x8f: {  	_ = 	snop  }
0x90: {  	s2 =	sld [smem:$0x3FBD]  }
0x91: {  	s18 =	sld [smem:$0x3FBC];
	(tm) =	ssettm $0x1  }
0x92: {  	s4 =	sld [smem:$0x3FFB];
	_ =	sdelay $0x3  }
0x93: {  	_ =	strace s4  }
0x94: {  	s4 =	sld [smem:$0x3FFC];
	_ =	sdelay $0x3  }
0x95: {  	_ =	strace s4  }
0x96: {  	s4 =	sld [smem:$0x3FFD];
	_ =	sdelay $0x3  }
0x97: {  	_ =	strace s4  }
0x98: {  	_ =	strace $0x8FFFFFFF  }
0x99: {  	s19 =	sld [smem:$0x3FDB];
	_ =	sdelay $0x1  }
0x9a: {  	s5 =	simm.s32 $_scs_section_size  }
0x9b: {  	s6 =	simm.s32 $_size__tile_overlayer_lowered;
	s7 =	simm.s32 $_tile_overlayer_lowered  }
0x9c: {  	s22 =	simm.s32 $0x1BFF;
	s21 =	sshll.u32 s7, $0x1;
	s4 =	sadd.s32 s5, s19  }
0x9d: {  	s8 =	simm.s32 $0x0;
	s20 =	sshll.u32 s6, $0x1;
	s6 =	sadd.s32 s21, s4  }
0x9e: {  	[timem:s8], [sflag:s22] =	dma.local [hbm:s6], s20  }
0x9f: {  	_ =	swait.ge [sflag:s22], s20  }
0xa0: {  	s5 =	ssub.s32 $0x0, s20;
	[sflag:s22] =	ssyncset.done $0x0  }
0xa1: {  	[sflag:s22] =	ssyncadd.s32 s5;
	_ =	sdelay $0x1  }
0xa2: {  	s23 =	simm.s32 $0x1B8B  }
0xa3: {  	_ =	swait.ge [sflag:s23], $0x1  }
0xa4: {  	[sflag:s23] =	ssyncset.done $0x0  }
0xa5: {  	s25 =	simm.s32 $0x1B8E;
	s24 =	sld [smem:$0x3FFE];
	[sflag:s23] =	ssyncadd.s32 $0xFFFFFFFF  }
0xa6: {  	s26 =	simm.s32 $execute0_lowered;
	[smem:$0x3FD2] =	sst s25  }
0xa7: {  	s6 =	sshll.u32 s26, $0x1;
	_ =	strace $0x80000046;
	[dreg:$0x1] =	wrdreg $0xFFFFFFFF  }
0xa8: {  	s28 =	simm.s32 $_size_execute0_lowered;
	s4 =	sadd.s32 s4, s6;
	[dreg:$0x0] =	wrdreg $0x0  }
0xa9: {  	s6 =	sshll.u32 s28, $0x1;
	[dreg:$0x2] =	wrdreg s4  }
0xaa: {  	[dreg:$0x3] =	wrdreg s6  }
0xab: {  	[dreg:$0x4] =	wrdreg $0xC0  }
0xac: {  	_ =	task [dreg:s8], $0x5FFFF  }
0xad: {  	[dreg:$0x1] =	wrdreg $0xFFFFFFFF  }
0xae: {  	[dreg:$0x0] =	wrdreg $0x60  }
0xaf: {  	[dreg:$0x2] =	wrdreg s24  }
0xb0: {  	[dreg:$0x3] =	wrdreg s2  }
0xb1: {  	[dreg:$0x4] =	wrdreg s18  }
0xb2: {  	[dreg:$0x5] =	wrdreg $0x9  }
0xb3: {  	_ =	task.clear_ibuf [dreg:s8], $0x6FFFF;
	_ =	strace $0x90000046  }
0xb4: {  	s29 =	simm.s32 $0x9;
	_ =	strace $0x80000048  }
0xb5: {  	_ =	swait.ge [sflag:s29], $0x1  }
0xb6: {  	[sflag:s29] =	ssyncadd.s32 $0xFFFFFFFF  }
0xb7: {  	_ =	strace $0x90000048  }
0xb8: {  	_ =	sfence  }
0xb9: {  	s30 =	sld [smem:$0x0];
	_ =	sdelay $0x2  }
0xba: {  	s31 =	sshll.u32 s1, $0xD;
	s1 =	sshrl.u32 s1, $0x2  }
0xbb: {  	s3 =	sand.u32 $0x4000, s31;
	s1 =	sadd.s32 s1, s30  }
0xbc: {  	s0 =	sor.u32 s3, s0;
	s1 =	sshll.u32 s1, $0x11  }
0xbd: {  	s0 =	sor.u32 s1, s0  }
0xbe: {  	s0 =	sadd.s32 $0x8F2B, s0  }
0xbf: {  	[sflag:s0] =	ssyncadd.remote.s32 $0x1  }
0xc0: {  	_ =	sfence.sel $0xFFFF  }
0xc1: {  	[dreg:$0x0] =	wrdreg $0xFFFFFFFF;
	(pc) =	sbr.abs _section_cstart, $3  }
0xc2: {  	[dreg:$0x1] =	wrdreg $0xFFFFFFFF  }
0xc3: {  	_ =	task.clear_ibuf [dreg:s8], $0x2FFFF;
	_ =	strace $0x9FFFFFFF  }
0xc4: {  	(tm) =	ssettm $0x7FFFFFFF  }
0xc5: {  	_ =	shalt  }
tec
execute0_lowered:
.L_overlay_start_1:
0x0: {  	(tag) =	ssettag $0x1  }
0x1: {  	s0 =	rddreg [dreg:$0x0]  }
0x2: {  	s1 =	srdreg.scid;
	s3 =	rddreg [dreg:$0x1]  }
0x3: {  	s2 =	stileid.u32;
	s4 =	rddreg [dreg:$0x2];
	s13 =	simm.s32 $0x80  }
0x4: {  	s16 =	simm.s32 $0x100;
	s17 =	simm.s32 $0x300;
	s14 =	simm.s32 $0x180  }
0x5: {  	s15 =	simm.s32 $0x380;
	p0 =	por $0x0, $0x0;
	s28 =	simm.s32 $0x1C00  }
0x6: {  	s29 =	simm.s32 $0x3C00;
	s30 =	simm.s32 $0x5C00;
	s31 =	simm.s32 $0x7C00  }
0x7: {  	s1 =	sand.u32 $0x1, s1;
	s5 =	sshll.u32 s2, $0xA;
	s8 =	sadd.s32 $0x14FCC00, s0  }
0x8: {  	s2 =	simm.s32 $0x0;
	s11 =	sadd.s32 $0x112C000, s0;
	s12 =	sadd.s32 $0xF43A00, s0  }
0x9: {  	s6 =	sshll.u32 s1, $0x9;
	[smem:$0x7FF] =	sst s2;
	s1 =	ssub.s32 $0x2, s1  }
0xa: {  	s5 =	sor.u32 s6, s5;
	_ =	strace $0x80000047;
	s26 =	sshrl.u32 s1, $0x1  }
0xb: {  	s6 =	sshrl.u32 s5, $0x3;
	s1 =	ssub.s32 s1, s26;
	s26 =	simm.s32 $0xC00  }
0xc: {  	s5 =	sshll.u32 s5, $0x1;
	s7 =	sadd.s32 s3, s6;
	[dreg:$0x10] =	wrdreg s26  }
0xd: {  	s18 =	sadd.s32 s4, s6;
	s9 =	sor.u32 $0x10, s6;
	[dreg:$0x4] =	wrdreg s7  }
0xe: {  	s10 =	sor.u32 $0x20, s6;
	[dreg:$0x5] =	wrdreg s18;
	s19 =	sadd.s32 s3, s9  }
0xf: {  	s6 =	sor.u32 $0x30, s6;
	s20 =	sadd.s32 s4, s9;
	[dreg:$0x6] =	wrdreg s19  }
0x10: {  	s5 =	sadd.s32 s5, s0;
	s21 =	sadd.s32 s3, s10;
	[dreg:$0x7] =	wrdreg s20  }
0x11: {  	s26 =	simm.s32 $0x7400;
	s22 =	sadd.s32 s4, s10;
	[dreg:$0x8] =	wrdreg s21  }
0x12: {  	s9 =	sadd.s32 $0x1314600, s0;
	s3 =	sadd.s32 s3, s6;
	[dreg:$0x9] =	wrdreg s22  }
0x13: {  	s23 =	sadd.s32 s4, s6;
	s24 =	sadd.s32 $0x19600, s5;
	[dreg:$0xa] =	wrdreg s3  }
0x14: {  	s25 =	sadd.s32 $0x11600, s5;
	s6 =	sadd.s32 $0x9600, s5;
	[dreg:$0xb] =	wrdreg s23  }
0x15: {  	s7 =	sadd.s32 $0x1600, s5;
	s10 =	smax.u32 s1, $0x1;
	[dreg:$0xc] =	wrdreg s24  }
0x16: {  	s18 =	simm.s32 $0x280;
	s5 =	simm.s32 $0x4400;
	[dreg:$0xd] =	wrdreg s25  }
0x17: {  	s4 =	simm.s32 $0x6400;
	[dreg:$0xe] =	wrdreg s6;
	p1 =	sne.s32 s10, $0x1  }
.Ltmp0:
0x18: {  	[dreg:$0xf] =	wrdreg s7;
	s3 =	simm.s32 $0x2;
	(pc) =	sbr.rel @!p1 .LBB2_3-.Ltmp0, $4  }
0x19: {  	s19 =	simm.s32 $0x200;
	s7 =	simm.s32 $0x400;
	s6 =	simm.s32 $0x2400  }
0x1a: {  	s20 =	simm.s32 $0x2C00;
	s21 =	simm.s32 $0x4C00;
	s22 =	simm.s32 $0x6C00  }
0x1b: {  	s23 =	simm.s32 $0x1400;
	s24 =	simm.s32 $0x3400;
	s25 =	simm.s32 $0x5400  }
0x1c: {  	s1 =	sadd.s32 $0xFFFFFFFF, s10;
	s10 =	simm.s32 $0x1;
	s0 =	rddreg [dreg:$0x4]  }
0x1d: {  	[tilespmem:s2], [sflag:$0x2] =	stream.linear.gather [hbm4b:s0+s2], $0x80, $0x38;
	[tilespmem:$0x8400] =	vst v63  }
0x1e: {  	_ =	swait.ge [sflag:s3], $0x80  }
0x1f: {  	[sflag:s3] =	ssyncset.done $0x0  }
0x20: {  	s0 =	rddreg [dreg:$0x5];
	[sflag:s3] =	ssyncadd.s32 $0xFFFFFF80  }
0x21: {  	[tilespmem:s19], [sflag:$0x2] =	stream.linear.gather [hbm4b:s0+s2], $0x80, $0x38;
	[tilespmem:$0x8400] =	vst v63  }
0x22: {  	_ =	swait.ge [sflag:s3], $0x80  }
0x23: {  	[sflag:s3] =	ssyncset.done $0x0  }
0x24: {  	s0 =	rddreg [dreg:$0x6];
	[sflag:s3] =	ssyncadd.s32 $0xFFFFFF80  }
0x25: {  	[tilespmem:s13], [sflag:$0x2] =	stream.linear.gather [hbm4b:s0+s2], $0x80, $0x38;
	[tilespmem:$0x8400] =	vst v63  }
0x26: {  	_ =	swait.ge [sflag:s3], $0x80  }
0x27: {  	[sflag:s3] =	ssyncset.done $0x0  }
0x28: {  	s0 =	rddreg [dreg:$0x7];
	[sflag:s3] =	ssyncadd.s32 $0xFFFFFF80  }
0x29: {  	[tilespmem:s18], [sflag:$0x2] =	stream.linear.gather [hbm4b:s0+s2], $0x80, $0x38;
	[tilespmem:$0x8400] =	vst v63  }
0x2a: {  	_ =	swait.ge [sflag:s3], $0x80  }
0x2b: {  	[sflag:s3] =	ssyncset.done $0x0  }
0x2c: {  	s0 =	rddreg [dreg:$0x8];
	[sflag:s3] =	ssyncadd.s32 $0xFFFFFF80  }
0x2d: {  	[tilespmem:s16], [sflag:$0x2] =	stream.linear.gather [hbm4b:s0+s2], $0x80, $0x38;
	[tilespmem:$0x8400] =	vst v63  }
0x2e: {  	_ =	swait.ge [sflag:s3], $0x80  }
0x2f: {  	[sflag:s3] =	ssyncset.done $0x0  }
0x30: {  	s0 =	rddreg [dreg:$0x9];
	[sflag:s3] =	ssyncadd.s32 $0xFFFFFF80  }
0x31: {  	[tilespmem:s17], [sflag:$0x2] =	stream.linear.gather [hbm4b:s0+s2], $0x80, $0x38;
	[tilespmem:$0x8400] =	vst v63  }
0x32: {  	_ =	swait.ge [sflag:s3], $0x80  }
0x33: {  	[sflag:s3] =	ssyncset.done $0x0  }
0x34: {  	s0 =	rddreg [dreg:$0xa];
	[sflag:s3] =	ssyncadd.s32 $0xFFFFFF80  }
0x35: {  	[tilespmem:s14], [sflag:$0x2] =	stream.linear.gather [hbm4b:s0+s2], $0x80, $0x38;
	[tilespmem:$0x8400] =	vst v63  }
0x36: {  	_ =	swait.ge [sflag:s3], $0x80  }
0x37: {  	[sflag:s3] =	ssyncset.done $0x0  }
0x38: {  	s0 =	rddreg [dreg:$0xb];
	[sflag:s3] =	ssyncadd.s32 $0xFFFFFF80  }
0x39: {  	[tilespmem:s15], [sflag:$0x2] =	stream.linear.gather [hbm4b:s0+s2], $0x80, $0x38;
	[tilespmem:$0x8400] =	vst v63  }
0x3a: {  	_ =	swait.ge [sflag:s3], $0x80  }
0x3b: {  	[sflag:s3] =	ssyncset.done $0x0  }
0x3c: {  	[sflag:s3] =	ssyncadd.s32 $0xFFFFFF80  }
0x3d: {  	[tilespmem:s7], [sflag:$0x1] =	stream.indirect.gather [hbm4b:s8+s13], $0x10, s2, s13, $0xb8;
	[tilespmem:$0x8400] =	vst v63  }
0x3e: {  	_ = 	snop  }
0x3f: {  	[tilespmem:s6], [sflag:$0x1] =	stream.indirect.gather [hbm4b:s9+s13], $0x10, s19, s13, $0xb8;
	[tilespmem:$0x8400] =	vst v63  }
0x40: {  	_ = 	snop  }
0x41: {  	[tilespmem:s5], [sflag:$0x1] =	stream.indirect.gather [hbm4b:s11+s13], $0x10, s2, s13, $0xb8;
	[tilespmem:$0x8400] =	vst v63  }
0x42: {  	_ = 	snop  }
0x43: {  	[tilespmem:s4], [sflag:$0x1] =	stream.indirect.gather [hbm4b:s12+s13], $0x10, s19, s13, $0xb8;
	[tilespmem:$0x8400] =	vst v63  }
0x44: {  	s0 =	rddreg [dreg:$0x10]  }
0x45: {  	[tilespmem:s0], [sflag:$0x1] =	stream.indirect.gather [hbm4b:s8+s13], $0x10, s13, s13, $0xb8;
	[tilespmem:$0x8400] =	vst v63  }
0x46: {  	_ = 	snop  }
0x47: {  	[tilespmem:s20], [sflag:$0x1] =	stream.indirect.gather [hbm4b:s9+s13], $0x10, s18, s13, $0xb8;
	[tilespmem:$0x8400] =	vst v63  }
0x48: {  	_ = 	snop  }
0x49: {  	[tilespmem:s21], [sflag:$0x1] =	stream.indirect.gather [hbm4b:s11+s13], $0x10, s13, s13, $0xb8;
	[tilespmem:$0x8400] =	vst v63  }
0x4a: {  	_ = 	snop  }
0x4b: {  	[tilespmem:s22], [sflag:$0x1] =	stream.indirect.gather [hbm4b:s12+s13], $0x10, s18, s13, $0xb8;
	[tilespmem:$0x8400] =	vst v63  }
0x4c: {  	_ = 	snop  }
0x4d: {  	[tilespmem:s23], [sflag:$0x1] =	stream.indirect.gather [hbm4b:s8+s13], $0x10, s16, s13, $0xb8;
	[tilespmem:$0x8400] =	vst v63  }
0x4e: {  	_ = 	snop  }
0x4f: {  	[tilespmem:s24], [sflag:$0x1] =	stream.indirect.gather [hbm4b:s9+s13], $0x10, s17, s13, $0xb8;
	[tilespmem:$0x8400] =	vst v63  }
0x50: {  	_ = 	snop  }
0x51: {  	[tilespmem:s25], [sflag:$0x1] =	stream.indirect.gather [hbm4b:s11+s13], $0x10, s16, s13, $0xb8;
	[tilespmem:$0x8400] =	vst v63  }
0x52: {  	_ = 	snop  }
0x53: {  	[tilespmem:s26], [sflag:$0x1] =	stream.indirect.gather [hbm4b:s12+s13], $0x10, s17, s13, $0xb8;
	[tilespmem:$0x8400] =	vst v63  }
0x54: {  	_ = 	snop  }
0x55: {  	[tilespmem:s28], [sflag:$0x1] =	stream.indirect.gather [hbm4b:s8+s13], $0x10, s14, s13, $0xb8;
	[tilespmem:$0x8400] =	vst v63  }
0x56: {  	_ = 	snop  }
0x57: {  	[tilespmem:s29], [sflag:$0x1] =	stream.indirect.gather [hbm4b:s9+s13], $0x10, s15, s13, $0xb8;
	[tilespmem:$0x8400] =	vst v63  }
0x58: {  	_ = 	snop  }
0x59: {  	[tilespmem:s30], [sflag:$0x1] =	stream.indirect.gather [hbm4b:s11+s13], $0x10, s14, s13, $0xb8;
	[tilespmem:$0x8400] =	vst v63  }
0x5a: {  	_ = 	snop  }
0x5b: {  	[tilespmem:s31], [sflag:$0x1] =	stream.indirect.gather [hbm4b:s12+s13], $0x10, s15, s13, $0xb8;
	[tilespmem:$0x8400] =	vst v63  }
0x5c: {  	_ =	swait.ge [sflag:s10], $0x800  }
0x5d: {  	[sflag:s10] =	ssyncset.done $0x0  }
0x5e: {  	[sflag:s10] =	ssyncadd.s32 $0xFFFFF800  }
0x5f: {  	_ =	swait.ge [sflag:s10], $0x800  }
0x60: {  	[sflag:s10] =	ssyncset.done $0x0  }
0x61: {  	[sflag:s10] =	ssyncadd.s32 $0xFFFFF800  }
0x62: {  	_ =	swait.ge [sflag:s10], $0x800  }
0x63: {  	[sflag:s10] =	ssyncset.done $0x0  }
0x64: {  	[sflag:s10] =	ssyncadd.s32 $0xFFFFF800  }
0x65: {  	_ =	swait.ge [sflag:s10], $0x800  }
0x66: {  	[sflag:s10] =	ssyncset.done $0x0  }
0x67: {  	[sflag:s10] =	ssyncadd.s32 $0xFFFFF800  }
0x68: {  	_ =	swait.ge [sflag:s10], $0x800  }
0x69: {  	[sflag:s10] =	ssyncset.done $0x0  }
0x6a: {  	[sflag:s10] =	ssyncadd.s32 $0xFFFFF800  }
0x6b: {  	_ =	swait.ge [sflag:s10], $0x800  }
0x6c: {  	[sflag:s10] =	ssyncset.done $0x0  }
0x6d: {  	[sflag:s10] =	ssyncadd.s32 $0xFFFFF800  }
0x6e: {  	_ =	swait.ge [sflag:s10], $0x800  }
0x6f: {  	[sflag:s10] =	ssyncset.done $0x0  }
0x70: {  	[sflag:s10] =	ssyncadd.s32 $0xFFFFF800  }
0x71: {  	_ =	swait.ge [sflag:s10], $0x800  }
0x72: {  	[sflag:s10] =	ssyncset.done $0x0  }
0x73: {  	[sflag:s10] =	ssyncadd.s32 $0xFFFFF800  }
0x74: {  	_ =	swait.ge [sflag:s10], $0x800  }
0x75: {  	[sflag:s10] =	ssyncset.done $0x0  }
0x76: {  	[sflag:s10] =	ssyncadd.s32 $0xFFFFF800  }
0x77: {  	_ =	swait.ge [sflag:s10], $0x800  }
0x78: {  	[sflag:s10] =	ssyncset.done $0x0  }
0x79: {  	[sflag:s10] =	ssyncadd.s32 $0xFFFFF800  }
0x7a: {  	_ =	swait.ge [sflag:s10], $0x800  }
0x7b: {  	[sflag:s10] =	ssyncset.done $0x0  }
0x7c: {  	[sflag:s10] =	ssyncadd.s32 $0xFFFFF800  }
0x7d: {  	_ =	swait.ge [sflag:s10], $0x800  }
0x7e: {  	[sflag:s10] =	ssyncset.done $0x0  }
0x7f: {  	[sflag:s10] =	ssyncadd.s32 $0xFFFFF800  }
0x80: {  	_ =	swait.ge [sflag:s10], $0x800  }
0x81: {  	[sflag:s10] =	ssyncset.done $0x0  }
0x82: {  	[sflag:s10] =	ssyncadd.s32 $0xFFFFF800  }
0x83: {  	_ =	swait.ge [sflag:s10], $0x800  }
0x84: {  	[sflag:s10] =	ssyncset.done $0x0  }
0x85: {  	[sflag:s10] =	ssyncadd.s32 $0xFFFFF800  }
0x86: {  	_ =	swait.ge [sflag:s10], $0x800  }
0x87: {  	[sflag:s10] =	ssyncset.done $0x0  }
0x88: {  	[sflag:s10] =	ssyncadd.s32 $0xFFFFF800  }
0x89: {  	_ =	swait.ge [sflag:s10], $0x800  }
0x8a: {  	[sflag:s10] =	ssyncset.done $0x0  }
0x8b: {  	s0 =	rddreg [dreg:$0xc];
	[sflag:s10] =	ssyncadd.s32 $0xFFFFF800  }
0x8c: {  	[hbm4b:s0+s2] =	stream.linear.scatter [tilespmem:s7], [sflag:$0x2], $0x2000, $0x38;
	[tilespmem:$0x8400] =	vst v63  }
0x8d: {  	_ =	swait.ge [sflag:s3], $0x2000  }
0x8e: {  	[sflag:s3] =	ssyncset.done $0x0  }
0x8f: {  	s0 =	rddreg [dreg:$0xd];
	[sflag:s3] =	ssyncadd.s32 $0xFFFFE000  }
0x90: {  	[hbm4b:s0+s2] =	stream.linear.scatter [tilespmem:s6], [sflag:$0x2], $0x2000, $0x38;
	[tilespmem:$0x8400] =	vst v63  }
0x91: {  	_ =	swait.ge [sflag:s3], $0x2000  }
0x92: {  	[sflag:s3] =	ssyncset.done $0x0  }
0x93: {  	s0 =	rddreg [dreg:$0xe];
	[sflag:s3] =	ssyncadd.s32 $0xFFFFE000  }
0x94: {  	[hbm4b:s0+s2] =	stream.linear.scatter [tilespmem:s5], [sflag:$0x2], $0x2000, $0x38;
	[tilespmem:$0x8400] =	vst v63  }
0x95: {  	p1 =	sne.s32 s1, $0x1;
	_ =	swait.ge [sflag:s3], $0x2000  }
.Ltmp1:
0x96: {  	[sflag:s3] =	ssyncset.done $0x0;
	(pc) =	sbr.rel @!p1 .LBB2_3-.Ltmp1, $4  }
0x97: {  	s0 =	rddreg [dreg:$0xf];
	[sflag:s3] =	ssyncadd.s32 $0xFFFFE000  }
0x98: {  	[hbm4b:s0+s2] =	stream.linear.scatter [tilespmem:s4], [sflag:$0x2], $0x2000, $0x38;
	[tilespmem:$0x8400] =	vst v63  }
0x99: {  	s1 =	sadd.s32 $0xFFFFFFFF, s1;
	_ =	swait.ge [sflag:s3], $0x2000  }
0x9a: {  	p0 =	por $0x1, $0x1;
	s0 =	rddreg [dreg:$0x4];
	[sflag:s3] =	ssyncset.done $0x0  }
.LBB2_2:
0x9b: {  	[sflag:s3] =	ssyncadd.s32 $0xFFFFE000  }
0x9c: {  	[tilespmem:s2], [sflag:$0x2] =	stream.linear.gather [hbm4b:s0+s2], $0x80, $0x38;
	[tilespmem:$0x8400] =	vst v63  }
0x9d: {  	_ =	swait.ge [sflag:s3], $0x80  }
0x9e: {  	[sflag:s3] =	ssyncset.done $0x0  }
0x9f: {  	s0 =	rddreg [dreg:$0x5];
	[sflag:s3] =	ssyncadd.s32 $0xFFFFFF80  }
0xa0: {  	[tilespmem:s19], [sflag:$0x2] =	stream.linear.gather [hbm4b:s0+s2], $0x80, $0x38;
	[tilespmem:$0x8400] =	vst v63  }
0xa1: {  	_ =	swait.ge [sflag:s3], $0x80  }
0xa2: {  	[sflag:s3] =	ssyncset.done $0x0  }
0xa3: {  	s0 =	rddreg [dreg:$0x6];
	[sflag:s3] =	ssyncadd.s32 $0xFFFFFF80  }
0xa4: {  	[tilespmem:s13], [sflag:$0x2] =	stream.linear.gather [hbm4b:s0+s2], $0x80, $0x38;
	[tilespmem:$0x8400] =	vst v63  }
0xa5: {  	_ =	swait.ge [sflag:s3], $0x80  }
0xa6: {  	[sflag:s3] =	ssyncset.done $0x0  }
0xa7: {  	s0 =	rddreg [dreg:$0x7];
	[sflag:s3] =	ssyncadd.s32 $0xFFFFFF80  }
0xa8: {  	[tilespmem:s18], [sflag:$0x2] =	stream.linear.gather [hbm4b:s0+s2], $0x80, $0x38;
	[tilespmem:$0x8400] =	vst v63  }
0xa9: {  	_ =	swait.ge [sflag:s3], $0x80  }
0xaa: {  	[sflag:s3] =	ssyncset.done $0x0  }
0xab: {  	s0 =	rddreg [dreg:$0x8];
	[sflag:s3] =	ssyncadd.s32 $0xFFFFFF80  }
0xac: {  	[tilespmem:s16], [sflag:$0x2] =	stream.linear.gather [hbm4b:s0+s2], $0x80, $0x38;
	[tilespmem:$0x8400] =	vst v63  }
0xad: {  	_ =	swait.ge [sflag:s3], $0x80  }
0xae: {  	[sflag:s3] =	ssyncset.done $0x0  }
0xaf: {  	s0 =	rddreg [dreg:$0x9];
	[sflag:s3] =	ssyncadd.s32 $0xFFFFFF80  }
0xb0: {  	[tilespmem:s17], [sflag:$0x2] =	stream.linear.gather [hbm4b:s0+s2], $0x80, $0x38;
	[tilespmem:$0x8400] =	vst v63  }
0xb1: {  	_ =	swait.ge [sflag:s3], $0x80  }
0xb2: {  	[sflag:s3] =	ssyncset.done $0x0  }
0xb3: {  	s0 =	rddreg [dreg:$0xa];
	[sflag:s3] =	ssyncadd.s32 $0xFFFFFF80  }
0xb4: {  	[tilespmem:s14], [sflag:$0x2] =	stream.linear.gather [hbm4b:s0+s2], $0x80, $0x38;
	[tilespmem:$0x8400] =	vst v63  }
0xb5: {  	_ =	swait.ge [sflag:s3], $0x80  }
0xb6: {  	[sflag:s3] =	ssyncset.done $0x0  }
0xb7: {  	s0 =	rddreg [dreg:$0xb];
	[sflag:s3] =	ssyncadd.s32 $0xFFFFFF80  }
0xb8: {  	[tilespmem:s15], [sflag:$0x2] =	stream.linear.gather [hbm4b:s0+s2], $0x80, $0x38;
	[tilespmem:$0x8400] =	vst v63  }
0xb9: {  	_ =	swait.ge [sflag:s3], $0x80  }
0xba: {  	[sflag:s3] =	ssyncset.done $0x0  }
0xbb: {  	[sflag:s3] =	ssyncadd.s32 $0xFFFFFF80  }
0xbc: {  	[tilespmem:s7], [sflag:$0x1] =	stream.indirect.gather [hbm4b:s8+s13], $0x10, s2, s13, $0xb8;
	[tilespmem:$0x8400] =	vst v63  }
0xbd: {  	_ = 	snop  }
0xbe: {  	[tilespmem:s6], [sflag:$0x1] =	stream.indirect.gather [hbm4b:s9+s13], $0x10, s19, s13, $0xb8;
	[tilespmem:$0x8400] =	vst v63  }
0xbf: {  	_ = 	snop  }
0xc0: {  	[tilespmem:s5], [sflag:$0x1] =	stream.indirect.gather [hbm4b:s11+s13], $0x10, s2, s13, $0xb8;
	[tilespmem:$0x8400] =	vst v63  }
0xc1: {  	_ = 	snop  }
0xc2: {  	[tilespmem:s4], [sflag:$0x1] =	stream.indirect.gather [hbm4b:s12+s13], $0x10, s19, s13, $0xb8;
	[tilespmem:$0x8400] =	vst v63  }
0xc3: {  	s0 =	rddreg [dreg:$0x10]  }
0xc4: {  	[tilespmem:s0], [sflag:$0x1] =	stream.indirect.gather [hbm4b:s8+s13], $0x10, s13, s13, $0xb8;
	[tilespmem:$0x8400] =	vst v63  }
0xc5: {  	_ = 	snop  }
0xc6: {  	[tilespmem:s20], [sflag:$0x1] =	stream.indirect.gather [hbm4b:s9+s13], $0x10, s18, s13, $0xb8;
	[tilespmem:$0x8400] =	vst v63  }
0xc7: {  	_ = 	snop  }
0xc8: {  	[tilespmem:s21], [sflag:$0x1] =	stream.indirect.gather [hbm4b:s11+s13], $0x10, s13, s13, $0xb8;
	[tilespmem:$0x8400] =	vst v63  }
0xc9: {  	_ = 	snop  }
0xca: {  	[tilespmem:s22], [sflag:$0x1] =	stream.indirect.gather [hbm4b:s12+s13], $0x10, s18, s13, $0xb8;
	[tilespmem:$0x8400] =	vst v63  }
0xcb: {  	_ = 	snop  }
0xcc: {  	[tilespmem:s23], [sflag:$0x1] =	stream.indirect.gather [hbm4b:s8+s13], $0x10, s16, s13, $0xb8;
	[tilespmem:$0x8400] =	vst v63  }
0xcd: {  	_ = 	snop  }
0xce: {  	[tilespmem:s24], [sflag:$0x1] =	stream.indirect.gather [hbm4b:s9+s13], $0x10, s17, s13, $0xb8;
	[tilespmem:$0x8400] =	vst v63  }
0xcf: {  	_ = 	snop  }
0xd0: {  	[tilespmem:s25], [sflag:$0x1] =	stream.indirect.gather [hbm4b:s11+s13], $0x10, s16, s13, $0xb8;
	[tilespmem:$0x8400] =	vst v63  }
0xd1: {  	_ = 	snop  }
0xd2: {  	[tilespmem:s26], [sflag:$0x1] =	stream.indirect.gather [hbm4b:s12+s13], $0x10, s17, s13, $0xb8;
	[tilespmem:$0x8400] =	vst v63  }
0xd3: {  	_ = 	snop  }
0xd4: {  	[tilespmem:s28], [sflag:$0x1] =	stream.indirect.gather [hbm4b:s8+s13], $0x10, s14, s13, $0xb8;
	[tilespmem:$0x8400] =	vst v63  }
0xd5: {  	_ = 	snop  }
0xd6: {  	[tilespmem:s29], [sflag:$0x1] =	stream.indirect.gather [hbm4b:s9+s13], $0x10, s15, s13, $0xb8;
	[tilespmem:$0x8400] =	vst v63  }
0xd7: {  	_ = 	snop  }
0xd8: {  	[tilespmem:s30], [sflag:$0x1] =	stream.indirect.gather [hbm4b:s11+s13], $0x10, s14, s13, $0xb8;
	[tilespmem:$0x8400] =	vst v63  }
0xd9: {  	_ = 	snop  }
0xda: {  	[tilespmem:s31], [sflag:$0x1] =	stream.indirect.gather [hbm4b:s12+s13], $0x10, s15, s13, $0xb8;
	[tilespmem:$0x8400] =	vst v63  }
0xdb: {  	_ =	swait.ge [sflag:s10], $0x800  }
0xdc: {  	[sflag:s10] =	ssyncset.done $0x0  }
0xdd: {  	[sflag:s10] =	ssyncadd.s32 $0xFFFFF800  }
0xde: {  	_ =	swait.ge [sflag:s10], $0x800  }
0xdf: {  	[sflag:s10] =	ssyncset.done $0x0  }
0xe0: {  	[sflag:s10] =	ssyncadd.s32 $0xFFFFF800  }
0xe1: {  	_ =	swait.ge [sflag:s10], $0x800  }
0xe2: {  	[sflag:s10] =	ssyncset.done $0x0  }
0xe3: {  	[sflag:s10] =	ssyncadd.s32 $0xFFFFF800  }
0xe4: {  	_ =	swait.ge [sflag:s10], $0x800  }
0xe5: {  	[sflag:s10] =	ssyncset.done $0x0  }
0xe6: {  	[sflag:s10] =	ssyncadd.s32 $0xFFFFF800  }
0xe7: {  	_ =	swait.ge [sflag:s10], $0x800  }
0xe8: {  	[sflag:s10] =	ssyncset.done $0x0  }
0xe9: {  	[sflag:s10] =	ssyncadd.s32 $0xFFFFF800  }
0xea: {  	_ =	swait.ge [sflag:s10], $0x800  }
0xeb: {  	[sflag:s10] =	ssyncset.done $0x0  }
0xec: {  	[sflag:s10] =	ssyncadd.s32 $0xFFFFF800  }
0xed: {  	_ =	swait.ge [sflag:s10], $0x800  }
0xee: {  	[sflag:s10] =	ssyncset.done $0x0  }
0xef: {  	[sflag:s10] =	ssyncadd.s32 $0xFFFFF800  }
0xf0: {  	_ =	swait.ge [sflag:s10], $0x800  }
0xf1: {  	[sflag:s10] =	ssyncset.done $0x0  }
0xf2: {  	[sflag:s10] =	ssyncadd.s32 $0xFFFFF800  }
0xf3: {  	_ =	swait.ge [sflag:s10], $0x800  }
0xf4: {  	[sflag:s10] =	ssyncset.done $0x0  }
0xf5: {  	[sflag:s10] =	ssyncadd.s32 $0xFFFFF800  }
0xf6: {  	_ =	swait.ge [sflag:s10], $0x800  }
0xf7: {  	[sflag:s10] =	ssyncset.done $0x0  }
0xf8: {  	[sflag:s10] =	ssyncadd.s32 $0xFFFFF800  }
0xf9: {  	_ =	swait.ge [sflag:s10], $0x800  }
0xfa: {  	[sflag:s10] =	ssyncset.done $0x0  }
0xfb: {  	[sflag:s10] =	ssyncadd.s32 $0xFFFFF800  }
0xfc: {  	_ =	swait.ge [sflag:s10], $0x800  }
0xfd: {  	[sflag:s10] =	ssyncset.done $0x0  }
0xfe: {  	[sflag:s10] =	ssyncadd.s32 $0xFFFFF800  }
0xff: {  	_ =	swait.ge [sflag:s10], $0x800  }
0x100: {  	[sflag:s10] =	ssyncset.done $0x0  }
0x101: {  	[sflag:s10] =	ssyncadd.s32 $0xFFFFF800  }
0x102: {  	_ =	swait.ge [sflag:s10], $0x800  }
0x103: {  	[sflag:s10] =	ssyncset.done $0x0  }
0x104: {  	[sflag:s10] =	ssyncadd.s32 $0xFFFFF800  }
0x105: {  	_ =	swait.ge [sflag:s10], $0x800  }
0x106: {  	[sflag:s10] =	ssyncset.done $0x0  }
0x107: {  	[sflag:s10] =	ssyncadd.s32 $0xFFFFF800  }
0x108: {  	_ =	swait.ge [sflag:s10], $0x800  }
0x109: {  	[sflag:s10] =	ssyncset.done $0x0  }
0x10a: {  	s0 =	rddreg [dreg:$0xc];
	[sflag:s10] =	ssyncadd.s32 $0xFFFFF800  }
0x10b: {  	[hbm4b:s0+s2] =	stream.linear.scatter [tilespmem:s7], [sflag:$0x2], $0x2000, $0x38;
	[tilespmem:$0x8400] =	vst v63  }
0x10c: {  	_ =	swait.ge [sflag:s3], $0x2000  }
0x10d: {  	[sflag:s3] =	ssyncset.done $0x0  }
0x10e: {  	s0 =	rddreg [dreg:$0xd];
	[sflag:s3] =	ssyncadd.s32 $0xFFFFE000  }
0x10f: {  	[hbm4b:s0+s2] =	stream.linear.scatter [tilespmem:s6], [sflag:$0x2], $0x2000, $0x38;
	[tilespmem:$0x8400] =	vst v63  }
0x110: {  	_ =	swait.ge [sflag:s3], $0x2000  }
0x111: {  	[sflag:s3] =	ssyncset.done $0x0  }
0x112: {  	s0 =	rddreg [dreg:$0xe];
	[sflag:s3] =	ssyncadd.s32 $0xFFFFE000  }
0x113: {  	[hbm4b:s0+s2] =	stream.linear.scatter [tilespmem:s5], [sflag:$0x2], $0x2000, $0x38;
	[tilespmem:$0x8400] =	vst v63  }
0x114: {  	p1 =	sne.s32 s1, $0x1;
	_ =	swait.ge [sflag:s3], $0x2000  }
.Ltmp2:
0x115: {  	[sflag:s3] =	ssyncset.done $0x0;
	(pc) =	sbr.rel @p1 .LBB2_2-.Ltmp2, $4  }
0x116: {  	s0 =	rddreg [dreg:$0xf];
	[sflag:s3] =	ssyncadd.s32 $0xFFFFE000  }
0x117: {  	[hbm4b:s0+s2] =	stream.linear.scatter [tilespmem:s4], [sflag:$0x2], $0x2000, $0x38;
	[tilespmem:$0x8400] =	vst v63  }
0x118: {  	_ =	swait.ge [sflag:s3], $0x2000  }
0x119: {  	s1 =	sadd.s32 $0xFFFFFFFF, s1;
	s0 =	rddreg [dreg:$0x4];
	[sflag:s3] =	ssyncset.done $0x0  }
.LBB2_3:
0x11a: {  	[sflag:s3] =	ssyncadd.s32 @p0 $0xFFFFE000  }
0x11b: {  	[tilespmem:s2], [sflag:$0x2] =	stream.linear.gather [hbm4b:s0+s2], $0x80, $0x38;
	[tilespmem:$0x8400] =	vst v63  }
0x11c: {  	_ =	swait.ge [sflag:s3], $0x80  }
0x11d: {  	[sflag:s3] =	ssyncset.done $0x0  }
0x11e: {  	s1 =	rddreg [dreg:$0x5];
	[sflag:s3] =	ssyncadd.s32 $0xFFFFFF80  }
0x11f: {  	[tilespmem:s19], [sflag:$0x2] =	stream.linear.gather [hbm4b:s1+s2], $0x80, $0x38;
	[tilespmem:$0x8400] =	vst v63  }
0x120: {  	_ =	swait.ge [sflag:s3], $0x80  }
0x121: {  	[sflag:s3] =	ssyncset.done $0x0  }
0x122: {  	s1 =	rddreg [dreg:$0x6];
	[sflag:s3] =	ssyncadd.s32 $0xFFFFFF80  }
0x123: {  	[tilespmem:s13], [sflag:$0x2] =	stream.linear.gather [hbm4b:s1+s2], $0x80, $0x38;
	[tilespmem:$0x8400] =	vst v63  }
0x124: {  	_ =	swait.ge [sflag:s3], $0x80  }
0x125: {  	[sflag:s3] =	ssyncset.done $0x0  }
0x126: {  	s1 =	rddreg [dreg:$0x7];
	[sflag:s3] =	ssyncadd.s32 $0xFFFFFF80  }
0x127: {  	[tilespmem:s18], [sflag:$0x2] =	stream.linear.gather [hbm4b:s1+s2], $0x80, $0x38;
	[tilespmem:$0x8400] =	vst v63  }
0x128: {  	_ =	swait.ge [sflag:s3], $0x80  }
0x129: {  	[sflag:s3] =	ssyncset.done $0x0  }
0x12a: {  	s1 =	rddreg [dreg:$0x8];
	[sflag:s3] =	ssyncadd.s32 $0xFFFFFF80  }
0x12b: {  	[tilespmem:s16], [sflag:$0x2] =	stream.linear.gather [hbm4b:s1+s2], $0x80, $0x38;
	[tilespmem:$0x8400] =	vst v63  }
0x12c: {  	_ =	swait.ge [sflag:s3], $0x80  }
0x12d: {  	[sflag:s3] =	ssyncset.done $0x0  }
0x12e: {  	s1 =	rddreg [dreg:$0x9];
	[sflag:s3] =	ssyncadd.s32 $0xFFFFFF80  }
0x12f: {  	[tilespmem:s17], [sflag:$0x2] =	stream.linear.gather [hbm4b:s1+s2], $0x80, $0x38;
	[tilespmem:$0x8400] =	vst v63  }
0x130: {  	_ =	swait.ge [sflag:s3], $0x80  }
0x131: {  	[sflag:s3] =	ssyncset.done $0x0  }
0x132: {  	s1 =	rddreg [dreg:$0xa];
	[sflag:s3] =	ssyncadd.s32 $0xFFFFFF80  }
0x133: {  	[tilespmem:s14], [sflag:$0x2] =	stream.linear.gather [hbm4b:s1+s2], $0x80, $0x38;
	[tilespmem:$0x8400] =	vst v63  }
0x134: {  	_ =	swait.ge [sflag:s3], $0x80  }
0x135: {  	[sflag:s3] =	ssyncset.done $0x0  }
0x136: {  	s1 =	rddreg [dreg:$0xb];
	[sflag:s3] =	ssyncadd.s32 $0xFFFFFF80  }
0x137: {  	[tilespmem:s15], [sflag:$0x2] =	stream.linear.gather [hbm4b:s1+s2], $0x80, $0x38;
	[tilespmem:$0x8400] =	vst v63  }
0x138: {  	_ =	swait.ge [sflag:s3], $0x80  }
0x139: {  	[sflag:s3] =	ssyncset.done $0x0  }
0x13a: {  	[sflag:s3] =	ssyncadd.s32 $0xFFFFFF80  }
0x13b: {  	[tilespmem:s7], [sflag:$0x1] =	stream.indirect.gather [hbm4b:s8+s13], $0x10, s2, s13, $0xb8;
	[tilespmem:$0x8400] =	vst v63  }
0x13c: {  	_ = 	snop  }
0x13d: {  	[tilespmem:s6], [sflag:$0x1] =	stream.indirect.gather [hbm4b:s9+s13], $0x10, s19, s13, $0xb8;
	[tilespmem:$0x8400] =	vst v63  }
0x13e: {  	_ = 	snop  }
0x13f: {  	[tilespmem:s5], [sflag:$0x1] =	stream.indirect.gather [hbm4b:s11+s13], $0x10, s2, s13, $0xb8;
	[tilespmem:$0x8400] =	vst v63  }
0x140: {  	_ = 	snop  }
0x141: {  	[tilespmem:s4], [sflag:$0x1] =	stream.indirect.gather [hbm4b:s12+s13], $0x10, s19, s13, $0xb8;
	[tilespmem:$0x8400] =	vst v63  }
0x142: {  	s1 =	rddreg [dreg:$0x10]  }
0x143: {  	[tilespmem:s1], [sflag:$0x1] =	stream.indirect.gather [hbm4b:s8+s13], $0x10, s13, s13, $0xb8;
	[tilespmem:$0x8400] =	vst v63  }
0x144: {  	_ = 	snop  }
0x145: {  	[tilespmem:s20], [sflag:$0x1] =	stream.indirect.gather [hbm4b:s9+s13], $0x10, s18, s13, $0xb8;
	[tilespmem:$0x8400] =	vst v63  }
0x146: {  	_ = 	snop  }
0x147: {  	[tilespmem:s21], [sflag:$0x1] =	stream.indirect.gather [hbm4b:s11+s13], $0x10, s13, s13, $0xb8;
	[tilespmem:$0x8400] =	vst v63  }
0x148: {  	_ = 	snop  }
0x149: {  	[tilespmem:s22], [sflag:$0x1] =	stream.indirect.gather [hbm4b:s12+s13], $0x10, s18, s13, $0xb8;
	[tilespmem:$0x8400] =	vst v63  }
0x14a: {  	_ = 	snop  }
0x14b: {  	[tilespmem:s23], [sflag:$0x1] =	stream.indirect.gather [hbm4b:s8+s13], $0x10, s16, s13, $0xb8;
	[tilespmem:$0x8400] =	vst v63  }
0x14c: {  	_ = 	snop  }
0x14d: {  	[tilespmem:s24], [sflag:$0x1] =	stream.indirect.gather [hbm4b:s9+s13], $0x10, s17, s13, $0xb8;
	[tilespmem:$0x8400] =	vst v63  }
0x14e: {  	_ = 	snop  }
0x14f: {  	[tilespmem:s25], [sflag:$0x1] =	stream.indirect.gather [hbm4b:s11+s13], $0x10, s16, s13, $0xb8;
	[tilespmem:$0x8400] =	vst v63  }
0x150: {  	_ = 	snop  }
0x151: {  	[tilespmem:s26], [sflag:$0x1] =	stream.indirect.gather [hbm4b:s12+s13], $0x10, s17, s13, $0xb8;
	[tilespmem:$0x8400] =	vst v63  }
0x152: {  	_ = 	snop  }
0x153: {  	[tilespmem:s28], [sflag:$0x1] =	stream.indirect.gather [hbm4b:s8+s13], $0x10, s14, s13, $0xb8;
	[tilespmem:$0x8400] =	vst v63  }
0x154: {  	_ = 	snop  }
0x155: {  	[tilespmem:s29], [sflag:$0x1] =	stream.indirect.gather [hbm4b:s9+s13], $0x10, s15, s13, $0xb8;
	[tilespmem:$0x8400] =	vst v63  }
0x156: {  	_ = 	snop  }
0x157: {  	[tilespmem:s30], [sflag:$0x1] =	stream.indirect.gather [hbm4b:s11+s13], $0x10, s14, s13, $0xb8;
	[tilespmem:$0x8400] =	vst v63  }
0x158: {  	_ = 	snop  }
0x159: {  	[tilespmem:s31], [sflag:$0x1] =	stream.indirect.gather [hbm4b:s12+s13], $0x10, s15, s13, $0xb8;
	[tilespmem:$0x8400] =	vst v63  }
0x15a: {  	_ =	swait.ge [sflag:s10], $0x800  }
0x15b: {  	[sflag:s10] =	ssyncset.done $0x0  }
0x15c: {  	[sflag:s10] =	ssyncadd.s32 $0xFFFFF800  }
0x15d: {  	_ =	swait.ge [sflag:s10], $0x800  }
0x15e: {  	[sflag:s10] =	ssyncset.done $0x0  }
0x15f: {  	[sflag:s10] =	ssyncadd.s32 $0xFFFFF800  }
0x160: {  	_ =	swait.ge [sflag:s10], $0x800  }
0x161: {  	[sflag:s10] =	ssyncset.done $0x0  }
0x162: {  	[sflag:s10] =	ssyncadd.s32 $0xFFFFF800  }
0x163: {  	_ =	swait.ge [sflag:s10], $0x800  }
0x164: {  	[sflag:s10] =	ssyncset.done $0x0  }
0x165: {  	[sflag:s10] =	ssyncadd.s32 $0xFFFFF800  }
0x166: {  	_ =	swait.ge [sflag:s10], $0x800  }
0x167: {  	[sflag:s10] =	ssyncset.done $0x0  }
0x168: {  	[sflag:s10] =	ssyncadd.s32 $0xFFFFF800  }
0x169: {  	_ =	swait.ge [sflag:s10], $0x800  }
0x16a: {  	[sflag:s10] =	ssyncset.done $0x0  }
0x16b: {  	[sflag:s10] =	ssyncadd.s32 $0xFFFFF800  }
0x16c: {  	_ =	swait.ge [sflag:s10], $0x800  }
0x16d: {  	[sflag:s10] =	ssyncset.done $0x0  }
0x16e: {  	[sflag:s10] =	ssyncadd.s32 $0xFFFFF800  }
0x16f: {  	_ =	swait.ge [sflag:s10], $0x800  }
0x170: {  	[sflag:s10] =	ssyncset.done $0x0  }
0x171: {  	[sflag:s10] =	ssyncadd.s32 $0xFFFFF800  }
0x172: {  	_ =	swait.ge [sflag:s10], $0x800  }
0x173: {  	[sflag:s10] =	ssyncset.done $0x0  }
0x174: {  	[sflag:s10] =	ssyncadd.s32 $0xFFFFF800  }
0x175: {  	_ =	swait.ge [sflag:s10], $0x800  }
0x176: {  	[sflag:s10] =	ssyncset.done $0x0  }
0x177: {  	[sflag:s10] =	ssyncadd.s32 $0xFFFFF800  }
0x178: {  	_ =	swait.ge [sflag:s10], $0x800  }
0x179: {  	[sflag:s10] =	ssyncset.done $0x0  }
0x17a: {  	[sflag:s10] =	ssyncadd.s32 $0xFFFFF800  }
0x17b: {  	_ =	swait.ge [sflag:s10], $0x800  }
0x17c: {  	[sflag:s10] =	ssyncset.done $0x0  }
0x17d: {  	[sflag:s10] =	ssyncadd.s32 $0xFFFFF800  }
0x17e: {  	_ =	swait.ge [sflag:s10], $0x800  }
0x17f: {  	[sflag:s10] =	ssyncset.done $0x0  }
0x180: {  	[sflag:s10] =	ssyncadd.s32 $0xFFFFF800  }
0x181: {  	_ =	swait.ge [sflag:s10], $0x800  }
0x182: {  	[sflag:s10] =	ssyncset.done $0x0  }
0x183: {  	[sflag:s10] =	ssyncadd.s32 $0xFFFFF800  }
0x184: {  	_ =	swait.ge [sflag:s10], $0x800  }
0x185: {  	[sflag:s10] =	ssyncset.done $0x0  }
0x186: {  	[sflag:s10] =	ssyncadd.s32 $0xFFFFF800  }
0x187: {  	_ =	swait.ge [sflag:s10], $0x800  }
0x188: {  	[sflag:s10] =	ssyncset.done $0x0  }
0x189: {  	s26 =	rddreg [dreg:$0xc];
	[sflag:s10] =	ssyncadd.s32 $0xFFFFF800  }
0x18a: {  	[hbm4b:s26+s2] =	stream.linear.scatter [tilespmem:s7], [sflag:$0x2], $0x2000, $0x38;
	[tilespmem:$0x8400] =	vst v63  }
0x18b: {  	_ =	swait.ge [sflag:s3], $0x2000  }
0x18c: {  	[sflag:s3] =	ssyncset.done $0x0  }
0x18d: {  	s28 =	rddreg [dreg:$0xd];
	[sflag:s3] =	ssyncadd.s32 $0xFFFFE000  }
0x18e: {  	[hbm4b:s28+s2] =	stream.linear.scatter [tilespmem:s6], [sflag:$0x2], $0x2000, $0x38;
	[tilespmem:$0x8400] =	vst v63  }
0x18f: {  	_ =	swait.ge [sflag:s3], $0x2000  }
0x190: {  	[sflag:s3] =	ssyncset.done $0x0  }
0x191: {  	s29 =	rddreg [dreg:$0xe];
	[sflag:s3] =	ssyncadd.s32 $0xFFFFE000  }
0x192: {  	[hbm4b:s29+s2] =	stream.linear.scatter [tilespmem:s5], [sflag:$0x2], $0x2000, $0x38;
	[tilespmem:$0x8400] =	vst v63  }
0x193: {  	_ =	swait.ge [sflag:s3], $0x2000  }
0x194: {  	[sflag:s3] =	ssyncset.done $0x0  }
0x195: {  	s30 =	rddreg [dreg:$0xf];
	[sflag:s3] =	ssyncadd.s32 $0xFFFFE000  }
0x196: {  	[hbm4b:s30+s2] =	stream.linear.scatter [tilespmem:s4], [sflag:$0x2], $0x2000, $0x38;
	[tilespmem:$0x8400] =	vst v63  }
0x197: {  	_ =	swait.ge [sflag:s3], $0x2000  }
0x198: {  	[sflag:s3] =	ssyncset.done $0x0  }
0x199: {  	[sflag:s3] =	ssyncadd.s32 $0xFFFFE000  }
0x19a: {  	_ =	sfence.sel $0x180000  }
0x19b: {  	[bflag:$0x0] =	sbarrier.arrive $0xFFFF  }
0x19c: {  	_ =	strace $0x90000047  }
0x19d: {  	s31 =	stileid.u32;
	[bflag:$0x2] =	sbarrier.arrive $0xFFFF  }
0x19e: {  	p0 =	sne.s32 s31, $0x0;
	s0 =	rddreg [dreg:$0x3]  }
0x19f: {  	s0 =	sadd.s32 @!p0 $0x100000, s0  }
0x1a0: {  	[sflag:s0] =	ssyncadd.tile.s32 @!p0 $0x1;
	_ =	shalt  }
.Lfunc_end2:
_tile_overlayer_lowered:
.L_overlay_start_2:
0x1a1: {  	(tag) =	ssettag $0x2  }
0x1a2: {  	s0 =	rddreg [dreg:$0x0];
	s2 =	stileid.u32  }
0x1a3: {  	s1 =	rddreg [dreg:$0x1];
	p0 =	sne.s32 s2, $0x0  }
0x1a4: {  	s3 =	rddreg [dreg:$0x2];
	[bflag:$0x3] =	sbarrier.arrive $0xFFFF;
	s2 =	simm.s32 @!p0 $0x1C02  }
0x1a5: {  	[timem:s3], [sflag:s2] =	dma.local @!p0 [hbm:s0], s1  }
0x1a6: {  	s0 =	simm.s32 @!p0 $0x2  }
0x1a7: {  	_ =	swait.ge @!p0 [sflag:s0], s1  }
0x1a8: {  	s1 =	ssub.s32 @!p0 $0x0, s1;
	[sflag:s0] =	ssyncset.done @!p0 $0x0  }
0x1a9: {  	[sflag:s0] =	ssyncadd.s32 @!p0 s1  }
0x1aa: {  	[bflag:$0x3] =	sbarrier.arrive $0xFFFF  }
0x1ab: {  	_ =	shalt  }

</sc_bundles>
